<compile_context>
chip_gen: v7x
topology: tpu7x:2x2x1
jax: 0.10.2.dev20260603
libtpu: 0.0.44.dev20260713+nightly
codegen_flags: <defaults>
</compile_context>

<pallas_src>
import functools

import jax
import jax.numpy as jnp
from jax import lax
from jax.experimental import pallas as pl
from jax.experimental.pallas import tpu as pltpu
from jax.experimental.pallas import tpu_sc as plsc

K = 100000
D = 128
TK = 64
NEG = -3.0e38


SIM_BLK = 5120
SIM_GRID = -(-K // SIM_BLK)
NPAD = SIM_GRID * SIM_BLK


def _sim_body(q_ref, m_ref, o_ref):
    i = pl.program_id(0)
    q = q_ref[...]
    m = m_ref[...].reshape(40, 128, D)
    qn = jnp.sqrt(jnp.sum(q * q))
    dot = jnp.sum(m * q, axis=2)
    rn = jnp.sqrt(jnp.sum(m * m, axis=2))
    denom = jnp.maximum(qn * rn, 1e-8)
    sim = dot / denom
    sub = lax.broadcasted_iota(jnp.int32, (40, 128), 0)
    lane = lax.broadcasted_iota(jnp.int32, (40, 128), 1)
    glob = i * SIM_BLK + sub * 128 + lane
    o_ref[...] = jnp.where(glob >= K, NEG, sim)


def _similarities(q, m):
    return pl.pallas_call(
        _sim_body,
        grid=(SIM_GRID,),
        in_specs=[
            pl.BlockSpec((1, D), lambda i: (0, 0)),
            pl.BlockSpec((SIM_BLK, D), lambda i: (i, 0)),
        ],
        out_specs=pl.BlockSpec((40, 128), lambda i: (i, 0)),
        out_shape=jax.ShapeDtypeStruct((40 * SIM_GRID, 128), jnp.float32),
    )(q, m)



NW = 32
SHARD = NPAD // NW
NV = SHARD // 16


R = 8
NC = NW * 16 * R // TK


def _make_sc_topk():
    mesh = plsc.VectorSubcoreMesh(core_axis_name="c", subcore_axis_name="s")

    @functools.partial(
        pl.kernel,
        mesh=mesh,
        out_type=[
            jax.ShapeDtypeStruct((NW, 16 * R), jnp.float32),
            jax.ShapeDtypeStruct((NW, 16 * R), jnp.int32),
        ],
        scratch_types=[
            pltpu.VMEM((SHARD,), jnp.float32),
            pltpu.VMEM((16 * R,), jnp.float32),
            pltpu.VMEM((16 * R,), jnp.int32),
        ],
    )
    def sc_topk(sims_hbm, ov_hbm, oi_hbm, buf, cval, cidx):
        w = lax.axis_index("s") * 2 + lax.axis_index("c")
        base = (w * SHARD).astype(jnp.int32)
        pltpu.sync_copy(sims_hbm.at[pl.ds(base, SHARD)], buf)

        lanes = lax.iota(jnp.int32, 16)
        negv = jnp.full((16,), NEG, jnp.float32)
        zidx = jnp.zeros((16,), jnp.int32)

        def body(j, st):
            ms, ids = st[:R], st[R:]
            x = buf[pl.ds(j * 16, 16)]
            gx = base + j * 16 + lanes
            c = [x > m for m in ms]
            nm = [jnp.where(c[0], x, ms[0])]
            ni = [jnp.where(c[0], gx, ids[0])]
            for k in range(1, R):
                nm.append(jnp.where(c[k - 1], ms[k - 1],
                          jnp.where(c[k], x, ms[k])))
                ni.append(jnp.where(c[k - 1], ids[k - 1],
                          jnp.where(c[k], gx, ids[k])))
            return tuple(nm) + tuple(ni)

        init = (negv,) * R + (zidx,) * R
        fin = lax.fori_loop(0, NV, body, init)
        for k in range(R):
            cval[pl.ds(k * 16, 16)] = fin[k]
            cidx[pl.ds(k * 16, 16)] = fin[R + k]
        pltpu.sync_copy(cval, ov_hbm.at[w])
        pltpu.sync_copy(cidx, oi_hbm.at[w])

    return sc_topk


_SC_TOPK_CACHE = []


def _sc_topk(flat):
    if not _SC_TOPK_CACHE:
        _SC_TOPK_CACHE.append(_make_sc_topk())
    return _SC_TOPK_CACHE[0](flat)




def _merge_body(v_ref, g_ref, ov_ref, oi_ref):
    v = v_ref[...]
    g = g_ref[...]
    col = lax.broadcasted_iota(jnp.int32, (1, TK), 1)
    accv = jnp.full((1, TK), NEG, jnp.float32)
    acci = jnp.zeros((1, TK), jnp.int32)
    big = jnp.int32(2**31 - 1)
    for k in range(TK):
        m = jnp.max(v)
        hit = v == m
        gi = jnp.min(jnp.where(hit, g, big))
        accv = jnp.where(col == k, m, accv)
        acci = jnp.where(col == k, gi, acci)
        v = jnp.where(hit, NEG, v)
    ov_ref[...] = accv
    oi_ref[...] = acci


def _merge(cv, ci):
    return pl.pallas_call(
        _merge_body,
        out_shape=[
            jax.ShapeDtypeStruct((1, TK), jnp.float32),
            jax.ShapeDtypeStruct((1, TK), jnp.int32),
        ],
    )(cv, ci)




def kernel(query_embedding, index_matrix, top_k):
    del top_k
    sims = _similarities(query_embedding, index_matrix)
    flat = sims.reshape(NPAD)
    cv, ci = _sc_topk(flat)
    vv, ii = _merge(cv, ci)
    return vv.reshape(TK), ii.reshape(TK)

# --- scband reference (transcript-rebuilt; emitter-appended) ---
"""Pipeline reference for scband-semantic-memory-84172769068105 (READ-ONLY COPY).

The authoritative reference and input builder live on the scoring server;
editing this copy changes nothing except your own understanding.
"""

import jax, jax.numpy as jnp
import numpy as np

K = 100000
D = 128
TOP_K = 64


def setup_inputs(seed: int = 0) -> dict:
    key = jax.random.key(seed)
    k1, k2 = jax.random.split(key)
    query_embedding = jax.random.normal(k1, (1, D), dtype=jnp.float32)
    index_matrix = jax.random.normal(k2, (K, D), dtype=jnp.float32)
    return {
        "query_embedding": query_embedding,
        "index_matrix": index_matrix,
        "top_k": TOP_K,
    }


def reference(query_embedding, index_matrix, top_k):
    # Faithful to SemanticMemory.retrieve_similar:
    #   similarities = torch.cosine_similarity(query_embedding[1,D], index_matrix[K,D])
    #   top_k_values, top_k_indices = torch.topk(similarities, top_k)
    eps = 1e-8
    dot = jnp.sum(query_embedding * index_matrix, axis=-1)  # [K] via broadcast
    q_norm = jnp.linalg.norm(query_embedding, axis=-1)       # [1]
    m_norm = jnp.linalg.norm(index_matrix, axis=-1)          # [K]
    denom = jnp.maximum(q_norm * m_norm, eps)
    similarities = dot / denom                               # [K]
    top_k_zero = jnp.asarray(top_k - top_k, dtype=similarities.dtype)
    similarities = similarities + top_k_zero
    top_k_values, top_k_indices = jax.lax.top_k(similarities, TOP_K)
    return top_k_values, top_k_indices

if __name__ == "__main__":
    import jax
    _d = setup_inputs()
    print(jax.jit(kernel)(*tuple(_d.values())))

</pallas_src>

<mosaic_0001>
#map = affine_map<(d0, d1) -> (0)>
#map1 = affine_map<(d0, d1) -> (0, 0)>
module attributes {stable_mosaic.version = 14 : i64} {
  func.func @sc_topk(%arg0: i32, %arg1: i32, %arg2: memref<102400xf32, #tpu.memory_space<hbm>>, %arg3: memref<32x128xf32, #tpu.memory_space<hbm>>, %arg4: memref<32x128xi32, #tpu.memory_space<hbm>>, %arg5: memref<3200xf32, #tpu.memory_space<vmem>>, %arg6: memref<128xf32, #tpu.memory_space<vmem>>, %arg7: memref<128xi32, #tpu.memory_space<vmem>>) attributes {dimension_semantics = [#tpu.dimension_semantics<core_parallel>, #tpu.dimension_semantics<subcore_parallel>], iteration_bounds = array<i64: 2, 16>, scalar_prefetch = 0 : i64, scratch_operands = 3 : i64, tpu.core_type = #tpu.core_type<sc_vector_subcore>, window_params = [{transform_indices = #map}, {transform_indices = #map1}, {transform_indices = #map1}]} {
    %mul3A = arith.constant 2 : i32
    %mul3A_0 = arith.muli %arg1, %mul3A : i32
    %add3A = arith.addi %mul3A_0, %arg0 : i32
    %mul3A_1 = arith.constant 3200 : i32
    %mul3A_2 = arith.muli %add3A, %mul3A_1 : i32
    "tpu.region"() ({
      %run_scoped3A = tpu.sem_alloc : memref<!tpu.dma_semaphore, #tpu.memory_space<semaphore_mem>>
      %dma_start3A = tpu.memref_slice %arg2[%mul3A_2] : memref<102400xf32, #tpu.memory_space<hbm>> -> memref<3200xf32, #tpu.memory_space<hbm>>
      %dma_start3A_74 = tpu.memref_slice %arg2[%mul3A_2] : memref<102400xf32, #tpu.memory_space<hbm>> -> memref<3200xf32, #tpu.memory_space<hbm>>
      tpu.enqueue_dma source(%dma_start3A_74 : memref<3200xf32, #tpu.memory_space<hbm>>) target(%arg5 : memref<3200xf32, #tpu.memory_space<vmem>>) target_semaphore(%run_scoped3A : memref<!tpu.dma_semaphore, #tpu.memory_space<semaphore_mem>>)
      %dma_wait3A = tpu.memref_slice %arg2[%mul3A_2] : memref<102400xf32, #tpu.memory_space<hbm>> -> memref<3200xf32, #tpu.memory_space<hbm>>
      %dma_wait3A_75 = tpu.memref_slice %arg2[%mul3A_2] : memref<102400xf32, #tpu.memory_space<hbm>> -> memref<3200xf32, #tpu.memory_space<hbm>>
      tpu.wait_dma2 semaphore(%run_scoped3A : memref<!tpu.dma_semaphore, #tpu.memory_space<semaphore_mem>>) src(%dma_wait3A_75 : memref<3200xf32, #tpu.memory_space<hbm>>) dst(%arg5 : memref<3200xf32, #tpu.memory_space<vmem>>)
      tpu.yield
    }) : () -> ()
    %iota3A = tpu.iota {dimensions = array<i32: 0>} : vector<16xi32>
    %broadcast_in_dim3A = arith.constant -3.000000e+38 : f32
    %broadcast_in_dim3A_3 = vector.broadcast %broadcast_in_dim3A : f32 to vector<16xf32>
    %broadcast_in_dim3A_4 = arith.constant 0 : i32
    %broadcast_in_dim3A_5 = vector.broadcast %broadcast_in_dim3A_4 : i32 to vector<16xi32>
    %scan3A = arith.constant 0 : i32
    %scan3A_6 = arith.constant 200 : i32
    %scan3A_7 = arith.addi %scan3A, %scan3A_6 : i32
    %scan3A_8 = arith.constant 1 : i32
    %scan3A_9:16 = scf.for %scan3A_74 = %scan3A to %scan3A_7 step %scan3A_8 iter_args(%scan3A_75 = %broadcast_in_dim3A_3, %scan3A_76 = %broadcast_in_dim3A_3, %scan3A_77 = %broadcast_in_dim3A_3, %scan3A_78 = %broadcast_in_dim3A_3, %scan3A_79 = %broadcast_in_dim3A_3, %scan3A_80 = %broadcast_in_dim3A_3, %scan3A_81 = %broadcast_in_dim3A_3, %scan3A_82 = %broadcast_in_dim3A_3, %scan3A_83 = %broadcast_in_dim3A_5, %scan3A_84 = %broadcast_in_dim3A_5, %scan3A_85 = %broadcast_in_dim3A_5, %scan3A_86 = %broadcast_in_dim3A_5, %scan3A_87 = %broadcast_in_dim3A_5, %scan3A_88 = %broadcast_in_dim3A_5, %scan3A_89 = %broadcast_in_dim3A_5, %scan3A_90 = %broadcast_in_dim3A_5) -> (vector<16xf32>, vector<16xf32>, vector<16xf32>, vector<16xf32>, vector<16xf32>, vector<16xf32>, vector<16xf32>, vector<16xf32>, vector<16xi32>, vector<16xi32>, vector<16xi32>, vector<16xi32>, vector<16xi32>, vector<16xi32>, vector<16xi32>, vector<16xi32>)  : i32 {
      %mul3A_91 = arith.constant 16 : i32
      %mul3A_92 = arith.muli %scan3A_74, %mul3A_91 : i32
      %get3A = arith.index_cast %mul3A_92 : i32 to index
      %get3A_93 = tpu.vector_load %arg5[%get3A] {strides = array<i32>} : memref<3200xf32, #tpu.memory_space<vmem>>, vector<16xf32>,
      %get3A_94 = vector.shape_cast %get3A_93 : vector<16xf32> to vector<16xf32>
      %mul3A_95 = arith.constant 16 : i32
      %mul3A_96 = arith.muli %scan3A_74, %mul3A_95 : i32
      %add3A_97 = arith.addi %mul3A_2, %mul3A_96 : i32
      %add3A_98 = vector.broadcast %add3A_97 : i32 to vector<16xi32>
      %add3A_99 = arith.addi %add3A_98, %iota3A : vector<16xi32>
      %gt3A = arith.cmpf ogt, %get3A_94, %scan3A_75 : vector<16xf32>
      %gt3A_100 = arith.cmpf ogt, %get3A_94, %scan3A_76 : vector<16xf32>
      %gt3A_101 = arith.cmpf ogt, %get3A_94, %scan3A_77 : vector<16xf32>
      %gt3A_102 = arith.cmpf ogt, %get3A_94, %scan3A_78 : vector<16xf32>
      %gt3A_103 = arith.cmpf ogt, %get3A_94, %scan3A_79 : vector<16xf32>
      %gt3A_104 = arith.cmpf ogt, %get3A_94, %scan3A_80 : vector<16xf32>
      %gt3A_105 = arith.cmpf ogt, %get3A_94, %scan3A_81 : vector<16xf32>
      %gt3A_106 = arith.cmpf ogt, %get3A_94, %scan3A_82 : vector<16xf32>
      %select_n3A = arith.select %gt3A, %get3A_94, %scan3A_75 : vector<16xi1>, vector<16xf32>
      %select_n3A_107 = arith.select %gt3A, %add3A_99, %scan3A_83 : vector<16xi1>, vector<16xi32>
      %select_n3A_108 = arith.select %gt3A_100, %get3A_94, %scan3A_76 : vector<16xi1>, vector<16xf32>
      %select_n3A_109 = arith.select %gt3A, %scan3A_75, %select_n3A_108 : vector<16xi1>, vector<16xf32>
      %select_n3A_110 = arith.select %gt3A_100, %add3A_99, %scan3A_84 : vector<16xi1>, vector<16xi32>
      %select_n3A_111 = arith.select %gt3A, %scan3A_83, %select_n3A_110 : vector<16xi1>, vector<16xi32>
      %select_n3A_112 = arith.select %gt3A_101, %get3A_94, %scan3A_77 : vector<16xi1>, vector<16xf32>
      %select_n3A_113 = arith.select %gt3A_100, %scan3A_76, %select_n3A_112 : vector<16xi1>, vector<16xf32>
      %select_n3A_114 = arith.select %gt3A_101, %add3A_99, %scan3A_85 : vector<16xi1>, vector<16xi32>
      %select_n3A_115 = arith.select %gt3A_100, %scan3A_84, %select_n3A_114 : vector<16xi1>, vector<16xi32>
      %select_n3A_116 = arith.select %gt3A_102, %get3A_94, %scan3A_78 : vector<16xi1>, vector<16xf32>
      %select_n3A_117 = arith.select %gt3A_101, %scan3A_77, %select_n3A_116 : vector<16xi1>, vector<16xf32>
      %select_n3A_118 = arith.select %gt3A_102, %add3A_99, %scan3A_86 : vector<16xi1>, vector<16xi32>
      %select_n3A_119 = arith.select %gt3A_101, %scan3A_85, %select_n3A_118 : vector<16xi1>, vector<16xi32>
      %select_n3A_120 = arith.select %gt3A_103, %get3A_94, %scan3A_79 : vector<16xi1>, vector<16xf32>
      %select_n3A_121 = arith.select %gt3A_102, %scan3A_78, %select_n3A_120 : vector<16xi1>, vector<16xf32>
      %select_n3A_122 = arith.select %gt3A_103, %add3A_99, %scan3A_87 : vector<16xi1>, vector<16xi32>
      %select_n3A_123 = arith.select %gt3A_102, %scan3A_86, %select_n3A_122 : vector<16xi1>, vector<16xi32>
      %select_n3A_124 = arith.select %gt3A_104, %get3A_94, %scan3A_80 : vector<16xi1>, vector<16xf32>
      %select_n3A_125 = arith.select %gt3A_103, %scan3A_79, %select_n3A_124 : vector<16xi1>, vector<16xf32>
      %select_n3A_126 = arith.select %gt3A_104, %add3A_99, %scan3A_88 : vector<16xi1>, vector<16xi32>
      %select_n3A_127 = arith.select %gt3A_103, %scan3A_87, %select_n3A_126 : vector<16xi1>, vector<16xi32>
      %select_n3A_128 = arith.select %gt3A_105, %get3A_94, %scan3A_81 : vector<16xi1>, vector<16xf32>
      %select_n3A_129 = arith.select %gt3A_104, %scan3A_80, %select_n3A_128 : vector<16xi1>, vector<16xf32>
      %select_n3A_130 = arith.select %gt3A_105, %add3A_99, %scan3A_89 : vector<16xi1>, vector<16xi32>
      %select_n3A_131 = arith.select %gt3A_104, %scan3A_88, %select_n3A_130 : vector<16xi1>, vector<16xi32>
      %select_n3A_132 = arith.select %gt3A_106, %get3A_94, %scan3A_82 : vector<16xi1>, vector<16xf32>
      %select_n3A_133 = arith.select %gt3A_105, %scan3A_81, %select_n3A_132 : vector<16xi1>, vector<16xf32>
      %select_n3A_134 = arith.select %gt3A_106, %add3A_99, %scan3A_90 : vector<16xi1>, vector<16xi32>
      %select_n3A_135 = arith.select %gt3A_105, %scan3A_89, %select_n3A_134 : vector<16xi1>, vector<16xi32>
      scf.yield %select_n3A, %select_n3A_109, %select_n3A_113, %select_n3A_117, %select_n3A_121, %select_n3A_125, %select_n3A_129, %select_n3A_133, %select_n3A_107, %select_n3A_111, %select_n3A_115, %select_n3A_119, %select_n3A_123, %select_n3A_127, %select_n3A_131, %select_n3A_135 : vector<16xf32>, vector<16xf32>, vector<16xf32>, vector<16xf32>, vector<16xf32>, vector<16xf32>, vector<16xf32>, vector<16xf32>, vector<16xi32>, vector<16xi32>, vector<16xi32>, vector<16xi32>, vector<16xi32>, vector<16xi32>, vector<16xi32>, vector<16xi32>
    }
    %scan3A_10 = arith.constant 200 : i32
    %swap3A = arith.constant 0 : index
    %swap3A_11 = tpu.vector_load %arg6[%swap3A] {strides = array<i32>} : memref<128xf32, #tpu.memory_space<vmem>>, vector<16xf32>,
    %swap3A_12 = vector.shape_cast %swap3A_11 : vector<16xf32> to vector<16xf32>
    %swap3A_13 = vector.shape_cast %scan3A_9#0 : vector<16xf32> to vector<16xf32>
    tpu.vector_store %arg6[%swap3A], %swap3A_13 {strides = array<i32>} : memref<128xf32, #tpu.memory_space<vmem>>, vector<16xf32>,
    %swap3A_14 = arith.constant 0 : index
    %swap3A_15 = tpu.vector_load %arg7[%swap3A_14] {strides = array<i32>} : memref<128xi32, #tpu.memory_space<vmem>>, vector<16xi32>,
    %swap3A_16 = vector.shape_cast %swap3A_15 : vector<16xi32> to vector<16xi32>
    %swap3A_17 = vector.shape_cast %scan3A_9#8 : vector<16xi32> to vector<16xi32>
    tpu.vector_store %arg7[%swap3A_14], %swap3A_17 {strides = array<i32>} : memref<128xi32, #tpu.memory_space<vmem>>, vector<16xi32>,
    %swap3A_18 = arith.constant 16 : index
    %swap3A_19 = tpu.vector_load %arg6[%swap3A_18] {strides = array<i32>} : memref<128xf32, #tpu.memory_space<vmem>>, vector<16xf32>,
    %swap3A_20 = vector.shape_cast %swap3A_19 : vector<16xf32> to vector<16xf32>
    %swap3A_21 = vector.shape_cast %scan3A_9#1 : vector<16xf32> to vector<16xf32>
    tpu.vector_store %arg6[%swap3A_18], %swap3A_21 {strides = array<i32>} : memref<128xf32, #tpu.memory_space<vmem>>, vector<16xf32>,
    %swap3A_22 = arith.constant 16 : index
    %swap3A_23 = tpu.vector_load %arg7[%swap3A_22] {strides = array<i32>} : memref<128xi32, #tpu.memory_space<vmem>>, vector<16xi32>,
    %swap3A_24 = vector.shape_cast %swap3A_23 : vector<16xi32> to vector<16xi32>
    %swap3A_25 = vector.shape_cast %scan3A_9#9 : vector<16xi32> to vector<16xi32>
    tpu.vector_store %arg7[%swap3A_22], %swap3A_25 {strides = array<i32>} : memref<128xi32, #tpu.memory_space<vmem>>, vector<16xi32>,
    %swap3A_26 = arith.constant 32 : index
    %swap3A_27 = tpu.vector_load %arg6[%swap3A_26] {strides = array<i32>} : memref<128xf32, #tpu.memory_space<vmem>>, vector<16xf32>,
    %swap3A_28 = vector.shape_cast %swap3A_27 : vector<16xf32> to vector<16xf32>
    %swap3A_29 = vector.shape_cast %scan3A_9#2 : vector<16xf32> to vector<16xf32>
    tpu.vector_store %arg6[%swap3A_26], %swap3A_29 {strides = array<i32>} : memref<128xf32, #tpu.memory_space<vmem>>, vector<16xf32>,
    %swap3A_30 = arith.constant 32 : index
    %swap3A_31 = tpu.vector_load %arg7[%swap3A_30] {strides = array<i32>} : memref<128xi32, #tpu.memory_space<vmem>>, vector<16xi32>,
    %swap3A_32 = vector.shape_cast %swap3A_31 : vector<16xi32> to vector<16xi32>
    %swap3A_33 = vector.shape_cast %scan3A_9#10 : vector<16xi32> to vector<16xi32>
    tpu.vector_store %arg7[%swap3A_30], %swap3A_33 {strides = array<i32>} : memref<128xi32, #tpu.memory_space<vmem>>, vector<16xi32>,
    %swap3A_34 = arith.constant 48 : index
    %swap3A_35 = tpu.vector_load %arg6[%swap3A_34] {strides = array<i32>} : memref<128xf32, #tpu.memory_space<vmem>>, vector<16xf32>,
    %swap3A_36 = vector.shape_cast %swap3A_35 : vector<16xf32> to vector<16xf32>
    %swap3A_37 = vector.shape_cast %scan3A_9#3 : vector<16xf32> to vector<16xf32>
    tpu.vector_store %arg6[%swap3A_34], %swap3A_37 {strides = array<i32>} : memref<128xf32, #tpu.memory_space<vmem>>, vector<16xf32>,
    %swap3A_38 = arith.constant 48 : index
    %swap3A_39 = tpu.vector_load %arg7[%swap3A_38] {strides = array<i32>} : memref<128xi32, #tpu.memory_space<vmem>>, vector<16xi32>,
    %swap3A_40 = vector.shape_cast %swap3A_39 : vector<16xi32> to vector<16xi32>
    %swap3A_41 = vector.shape_cast %scan3A_9#11 : vector<16xi32> to vector<16xi32>
    tpu.vector_store %arg7[%swap3A_38], %swap3A_41 {strides = array<i32>} : memref<128xi32, #tpu.memory_space<vmem>>, vector<16xi32>,
    %swap3A_42 = arith.constant 64 : index
    %swap3A_43 = tpu.vector_load %arg6[%swap3A_42] {strides = array<i32>} : memref<128xf32, #tpu.memory_space<vmem>>, vector<16xf32>,
    %swap3A_44 = vector.shape_cast %swap3A_43 : vector<16xf32> to vector<16xf32>
    %swap3A_45 = vector.shape_cast %scan3A_9#4 : vector<16xf32> to vector<16xf32>
    tpu.vector_store %arg6[%swap3A_42], %swap3A_45 {strides = array<i32>} : memref<128xf32, #tpu.memory_space<vmem>>, vector<16xf32>,
    %swap3A_46 = arith.constant 64 : index
    %swap3A_47 = tpu.vector_load %arg7[%swap3A_46] {strides = array<i32>} : memref<128xi32, #tpu.memory_space<vmem>>, vector<16xi32>,
    %swap3A_48 = vector.shape_cast %swap3A_47 : vector<16xi32> to vector<16xi32>
    %swap3A_49 = vector.shape_cast %scan3A_9#12 : vector<16xi32> to vector<16xi32>
    tpu.vector_store %arg7[%swap3A_46], %swap3A_49 {strides = array<i32>} : memref<128xi32, #tpu.memory_space<vmem>>, vector<16xi32>,
    %swap3A_50 = arith.constant 80 : index
    %swap3A_51 = tpu.vector_load %arg6[%swap3A_50] {strides = array<i32>} : memref<128xf32, #tpu.memory_space<vmem>>, vector<16xf32>,
    %swap3A_52 = vector.shape_cast %swap3A_51 : vector<16xf32> to vector<16xf32>
    %swap3A_53 = vector.shape_cast %scan3A_9#5 : vector<16xf32> to vector<16xf32>
    tpu.vector_store %arg6[%swap3A_50], %swap3A_53 {strides = array<i32>} : memref<128xf32, #tpu.memory_space<vmem>>, vector<16xf32>,
    %swap3A_54 = arith.constant 80 : index
    %swap3A_55 = tpu.vector_load %arg7[%swap3A_54] {strides = array<i32>} : memref<128xi32, #tpu.memory_space<vmem>>, vector<16xi32>,
    %swap3A_56 = vector.shape_cast %swap3A_55 : vector<16xi32> to vector<16xi32>
    %swap3A_57 = vector.shape_cast %scan3A_9#13 : vector<16xi32> to vector<16xi32>
    tpu.vector_store %arg7[%swap3A_54], %swap3A_57 {strides = array<i32>} : memref<128xi32, #tpu.memory_space<vmem>>, vector<16xi32>,
    %swap3A_58 = arith.constant 96 : index
    %swap3A_59 = tpu.vector_load %arg6[%swap3A_58] {strides = array<i32>} : memref<128xf32, #tpu.memory_space<vmem>>, vector<16xf32>,
    %swap3A_60 = vector.shape_cast %swap3A_59 : vector<16xf32> to vector<16xf32>
    %swap3A_61 = vector.shape_cast %scan3A_9#6 : vector<16xf32> to vector<16xf32>
    tpu.vector_store %arg6[%swap3A_58], %swap3A_61 {strides = array<i32>} : memref<128xf32, #tpu.memory_space<vmem>>, vector<16xf32>,
    %swap3A_62 = arith.constant 96 : index
    %swap3A_63 = tpu.vector_load %arg7[%swap3A_62] {strides = array<i32>} : memref<128xi32, #tpu.memory_space<vmem>>, vector<16xi32>,
    %swap3A_64 = vector.shape_cast %swap3A_63 : vector<16xi32> to vector<16xi32>
    %swap3A_65 = vector.shape_cast %scan3A_9#14 : vector<16xi32> to vector<16xi32>
    tpu.vector_store %arg7[%swap3A_62], %swap3A_65 {strides = array<i32>} : memref<128xi32, #tpu.memory_space<vmem>>, vector<16xi32>,
    %swap3A_66 = arith.constant 112 : index
    %swap3A_67 = tpu.vector_load %arg6[%swap3A_66] {strides = array<i32>} : memref<128xf32, #tpu.memory_space<vmem>>, vector<16xf32>,
    %swap3A_68 = vector.shape_cast %swap3A_67 : vector<16xf32> to vector<16xf32>
    %swap3A_69 = vector.shape_cast %scan3A_9#7 : vector<16xf32> to vector<16xf32>
    tpu.vector_store %arg6[%swap3A_66], %swap3A_69 {strides = array<i32>} : memref<128xf32, #tpu.memory_space<vmem>>, vector<16xf32>,
    %swap3A_70 = arith.constant 112 : index
    %swap3A_71 = tpu.vector_load %arg7[%swap3A_70] {strides = array<i32>} : memref<128xi32, #tpu.memory_space<vmem>>, vector<16xi32>,
    %swap3A_72 = vector.shape_cast %swap3A_71 : vector<16xi32> to vector<16xi32>
    %swap3A_73 = vector.shape_cast %scan3A_9#15 : vector<16xi32> to vector<16xi32>
    tpu.vector_store %arg7[%swap3A_70], %swap3A_73 {strides = array<i32>} : memref<128xi32, #tpu.memory_space<vmem>>, vector<16xi32>,
    "tpu.region"() ({
      %run_scoped3A = tpu.sem_alloc : memref<!tpu.dma_semaphore, #tpu.memory_space<semaphore_mem>>
      %dma_start3A = arith.constant 0 : i32
      %dma_start3A_74 = tpu.memref_slice %arg3[%add3A, %dma_start3A] : memref<32x128xf32, #tpu.memory_space<hbm>> -> memref<1x128xf32, #tpu.memory_space<hbm>>
      %dma_start3A_75 = tpu.memref_squeeze %dma_start3A_74 : memref<1x128xf32, #tpu.memory_space<hbm>> -> memref<128xf32, #tpu.memory_space<hbm>>
      %dma_start3A_76 = arith.constant 0 : i32
      %dma_start3A_77 = tpu.memref_slice %arg3[%add3A, %dma_start3A_76] : memref<32x128xf32, #tpu.memory_space<hbm>> -> memref<1x128xf32, #tpu.memory_space<hbm>>
      %dma_start3A_78 = tpu.memref_squeeze %dma_start3A_77 : memref<1x128xf32, #tpu.memory_space<hbm>> -> memref<128xf32, #tpu.memory_space<hbm>>
      tpu.enqueue_dma source(%arg6 : memref<128xf32, #tpu.memory_space<vmem>>) target(%dma_start3A_78 : memref<128xf32, #tpu.memory_space<hbm>>) target_semaphore(%run_scoped3A : memref<!tpu.dma_semaphore, #tpu.memory_space<semaphore_mem>>)
      %dma_wait3A = arith.constant 0 : i32
      %dma_wait3A_79 = tpu.memref_slice %arg3[%add3A, %dma_wait3A] : memref<32x128xf32, #tpu.memory_space<hbm>> -> memref<1x128xf32, #tpu.memory_space<hbm>>
      %dma_wait3A_80 = tpu.memref_squeeze %dma_wait3A_79 : memref<1x128xf32, #tpu.memory_space<hbm>> -> memref<128xf32, #tpu.memory_space<hbm>>
      %dma_wait3A_81 = arith.constant 0 : i32
      %dma_wait3A_82 = tpu.memref_slice %arg3[%add3A, %dma_wait3A_81] : memref<32x128xf32, #tpu.memory_space<hbm>> -> memref<1x128xf32, #tpu.memory_space<hbm>>
      %dma_wait3A_83 = tpu.memref_squeeze %dma_wait3A_82 : memref<1x128xf32, #tpu.memory_space<hbm>> -> memref<128xf32, #tpu.memory_space<hbm>>
      tpu.wait_dma2 semaphore(%run_scoped3A : memref<!tpu.dma_semaphore, #tpu.memory_space<semaphore_mem>>) src(%arg6 : memref<128xf32, #tpu.memory_space<vmem>>) dst(%dma_wait3A_83 : memref<128xf32, #tpu.memory_space<hbm>>)
      tpu.yield
    }) : () -> ()
    "tpu.region"() ({
      %run_scoped3A = tpu.sem_alloc : memref<!tpu.dma_semaphore, #tpu.memory_space<semaphore_mem>>
      %dma_start3A = arith.constant 0 : i32
      %dma_start3A_74 = tpu.memref_slice %arg4[%add3A, %dma_start3A] : memref<32x128xi32, #tpu.memory_space<hbm>> -> memref<1x128xi32, #tpu.memory_space<hbm>>
      %dma_start3A_75 = tpu.memref_squeeze %dma_start3A_74 : memref<1x128xi32, #tpu.memory_space<hbm>> -> memref<128xi32, #tpu.memory_space<hbm>>
      %dma_start3A_76 = arith.constant 0 : i32
      %dma_start3A_77 = tpu.memref_slice %arg4[%add3A, %dma_start3A_76] : memref<32x128xi32, #tpu.memory_space<hbm>> -> memref<1x128xi32, #tpu.memory_space<hbm>>
      %dma_start3A_78 = tpu.memref_squeeze %dma_start3A_77 : memref<1x128xi32, #tpu.memory_space<hbm>> -> memref<128xi32, #tpu.memory_space<hbm>>
      tpu.enqueue_dma source(%arg7 : memref<128xi32, #tpu.memory_space<vmem>>) target(%dma_start3A_78 : memref<128xi32, #tpu.memory_space<hbm>>) target_semaphore(%run_scoped3A : memref<!tpu.dma_semaphore, #tpu.memory_space<semaphore_mem>>)
      %dma_wait3A = arith.constant 0 : i32
      %dma_wait3A_79 = tpu.memref_slice %arg4[%add3A, %dma_wait3A] : memref<32x128xi32, #tpu.memory_space<hbm>> -> memref<1x128xi32, #tpu.memory_space<hbm>>
      %dma_wait3A_80 = tpu.memref_squeeze %dma_wait3A_79 : memref<1x128xi32, #tpu.memory_space<hbm>> -> memref<128xi32, #tpu.memory_space<hbm>>
      %dma_wait3A_81 = arith.constant 0 : i32
      %dma_wait3A_82 = tpu.memref_slice %arg4[%add3A, %dma_wait3A_81] : memref<32x128xi32, #tpu.memory_space<hbm>> -> memref<1x128xi32, #tpu.memory_space<hbm>>
      %dma_wait3A_83 = tpu.memref_squeeze %dma_wait3A_82 : memref<1x128xi32, #tpu.memory_space<hbm>> -> memref<128xi32, #tpu.memory_space<hbm>>
      tpu.wait_dma2 semaphore(%run_scoped3A : memref<!tpu.dma_semaphore, #tpu.memory_space<semaphore_mem>>) src(%arg7 : memref<128xi32, #tpu.memory_space<vmem>>) dst(%dma_wait3A_83 : memref<128xi32, #tpu.memory_space<hbm>>)
      tpu.yield
    }) : () -> ()
    return
  }
}

module attributes {stable_mosaic.version = 14 : i64} {
  func.func @_sim_body(%arg0: i32, %arg1: memref<1x128xf32, #tpu.memory_space<vmem>>, %arg2: memref<5120x128xf32, #tpu.memory_space<vmem>>, %arg3: memref<40x128xf32, #tpu.memory_space<vmem>>) attributes {dimension_semantics = [#tpu.dimension_semantics<arbitrary>], iteration_bounds = array<i64: 20>, scalar_prefetch = 0 : i64, scratch_operands = 0 : i64, tpu.core_type = #tpu.core_type<tc>, window_params = [{pipeline_mode = #tpu.pipeline_mode<synchronous>, transform_indices = @transform_0, window_bounds = array<i64: 1, 128>}, {transform_indices = @transform_1, window_bounds = array<i64: 5120, 128>}, {transform_indices = @transform_2, window_bounds = array<i64: 40, 128>}]} {
    %get3A = arith.constant 0 : index
    %get3A_0 = arith.constant 0 : index
    %get3A_1 = vector.load %arg1[%get3A, %get3A_0] : memref<1x128xf32, #tpu.memory_space<vmem>>, vector<1x128xf32>
    %get3A_2 = arith.constant 0 : index
    %get3A_3 = arith.constant 0 : index
    %get3A_4 = vector.load %arg2[%get3A_2, %get3A_3] : memref<5120x128xf32, #tpu.memory_space<vmem>>, vector<5120x128xf32>
    %reshape3A = vector.shape_cast %get3A_4 : vector<5120x128xf32> to vector<40x128x128xf32>
    %mul3A = arith.mulf %get3A_1, %get3A_1 : vector<1x128xf32>
    %reduce_sum3A = vector.shape_cast %mul3A : vector<1x128xf32> to vector<1x1x128xf32>
    %reduce_sum3A_5 = arith.constant dense<0.000000e+00> : vector<1xf32>
    %reduce_sum3A_6 = vector.multi_reduction <add>, %reduce_sum3A, %reduce_sum3A_5 [1, 2] : vector<1x1x128xf32> to vector<1xf32>
    %reduce_sum3A_7 = vector.shape_cast %reduce_sum3A_6 : vector<1xf32> to vector<1x1x1xf32>
    %reduce_sum3A_8 = vector.extract %reduce_sum3A_7[0, 0, 0] : f32 from vector<1x1x1xf32>
    %sqrt3A = math.sqrt %reduce_sum3A_8 : f32
    %broadcast_in_dim3A = vector.shape_cast %get3A_1 : vector<1x128xf32> to vector<1x1x128xf32>
    %mul3A_9 = vector.broadcast %broadcast_in_dim3A : vector<1x1x128xf32> to vector<40x128x128xf32>
    %mul3A_10 = arith.mulf %reshape3A, %mul3A_9 : vector<40x128x128xf32>
    %reduce_sum3A_11 = arith.constant dense<0.000000e+00> : vector<40x128xf32>
    %reduce_sum3A_12 = vector.multi_reduction <add>, %mul3A_10, %reduce_sum3A_11 [2] : vector<40x128x128xf32> to vector<40x128xf32>
    %mul3A_13 = arith.mulf %reshape3A, %reshape3A : vector<40x128x128xf32>
    %reduce_sum3A_14 = arith.constant dense<0.000000e+00> : vector<40x128xf32>
    %reduce_sum3A_15 = vector.multi_reduction <add>, %mul3A_13, %reduce_sum3A_14 [2] : vector<40x128x128xf32> to vector<40x128xf32>
    %sqrt3A_16 = math.sqrt %reduce_sum3A_15 : vector<40x128xf32>
    %mul3A_17 = vector.broadcast %sqrt3A : f32 to vector<40x128xf32>
    %mul3A_18 = arith.mulf %mul3A_17, %sqrt3A_16 : vector<40x128xf32>
    %max3A = arith.constant 9.99999993E-9 : f32
    %max3A_19 = vector.broadcast %max3A : f32 to vector<40x128xf32>
    %max3A_20 = arith.maximumf %mul3A_18, %max3A_19 : vector<40x128xf32>
    %div3A = arith.divf %reduce_sum3A_12, %max3A_20 : vector<40x128xf32>
    %iota3A = tpu.iota {dimensions = array<i32: 0>} : vector<40x128xi32>
    %iota3A_21 = tpu.iota {dimensions = array<i32: 1>} : vector<40x128xi32>
    %mul3A_22 = arith.constant 5120 : i32
    %mul3A_23 = arith.muli %arg0, %mul3A_22 : i32
    %mul3A_24 = arith.constant 128 : i32
    %mul3A_25 = vector.broadcast %mul3A_24 : i32 to vector<40x128xi32>
    %mul3A_26 = arith.muli %iota3A, %mul3A_25 : vector<40x128xi32>
    %add3A = vector.broadcast %mul3A_23 : i32 to vector<40x128xi32>
    %add3A_27 = arith.addi %add3A, %mul3A_26 : vector<40x128xi32>
    %add3A_28 = arith.addi %add3A_27, %iota3A_21 : vector<40x128xi32>
    %ge3A = arith.constant 100000 : i32
    %ge3A_29 = vector.broadcast %ge3A : i32 to vector<40x128xi32>
    %ge3A_30 = arith.cmpi sge, %add3A_28, %ge3A_29 : vector<40x128xi32>
    %jit3A = arith.constant -3.000000e+38 : f32
    %broadcast_in_dim3A_31 = vector.broadcast %jit3A : f32 to vector<40x128xf32>
    %select_n3A = arith.select %ge3A_30, %broadcast_in_dim3A_31, %div3A : vector<40x128xi1>, vector<40x128xf32>
    %swap3A = arith.constant 0 : index
    %swap3A_32 = arith.constant 0 : index
    %swap3A_33 = vector.load %arg3[%swap3A, %swap3A_32] : memref<40x128xf32, #tpu.memory_space<vmem>>, vector<40x128xf32>
    tpu.vector_store %arg3[%swap3A, %swap3A_32], %select_n3A {strides = array<i32>} : memref<40x128xf32, #tpu.memory_space<vmem>>, vector<40x128xf32>,
    return
  }
  func.func @transform_0(%arg0: i32) -> (i32, i32) {
    %c0_i32 = arith.constant 0 : i32
    %c0_i32_0 = arith.constant 0 : i32
    %c0_i32_1 = arith.constant 0 : i32
    return %c0_i32, %c0_i32_0 : i32, i32
  }
  func.func @transform_1(%arg0: i32) -> (i32, i32) {
    %c0_i32 = arith.constant 0 : i32
    %c0_i32_0 = arith.constant 0 : i32
    return %arg0, %c0_i32 : i32, i32
  }
  func.func @transform_2(%arg0: i32) -> (i32, i32) {
    %c0_i32 = arith.constant 0 : i32
    %c0_i32_0 = arith.constant 0 : i32
    return %arg0, %c0_i32 : i32, i32
  }
}

module attributes {stable_mosaic.version = 14 : i64} {
  func.func @_merge_body(%arg0: memref<32x128xf32, #tpu.memory_space<vmem>>, %arg1: memref<32x128xi32, #tpu.memory_space<vmem>>, %arg2: memref<1x64xf32, #tpu.memory_space<vmem>>, %arg3: memref<1x64xi32, #tpu.memory_space<vmem>>) attributes {dimension_semantics = [], scalar_prefetch = 0 : i64, scratch_operands = 0 : i64, tpu.core_type = #tpu.core_type<tc>} {
    %get3A = arith.constant 0 : index
    %get3A_0 = arith.constant 0 : index
    %get3A_1 = vector.load %arg0[%get3A, %get3A_0] : memref<32x128xf32, #tpu.memory_space<vmem>>, vector<32x128xf32>
    %get3A_2 = arith.constant 0 : index
    %get3A_3 = arith.constant 0 : index
    %get3A_4 = vector.load %arg1[%get3A_2, %get3A_3] : memref<32x128xi32, #tpu.memory_space<vmem>>, vector<32x128xi32>
    %iota3A = tpu.iota {dimensions = array<i32: 1>} : vector<1x64xi32>
    %broadcast_in_dim3A = arith.constant -3.000000e+38 : f32
    %broadcast_in_dim3A_5 = vector.broadcast %broadcast_in_dim3A : f32 to vector<1x64xf32>
    %broadcast_in_dim3A_6 = arith.constant 0 : i32
    %broadcast_in_dim3A_7 = vector.broadcast %broadcast_in_dim3A_6 : i32 to vector<1x64xi32>
    %reduce_max3A = vector.shape_cast %get3A_1 : vector<32x128xf32> to vector<1x32x128xf32>
    %reduce_max3A_8 = arith.constant dense<0xFF800000> : vector<1xf32>
    %reduce_max3A_9 = vector.multi_reduction <maximumf>, %reduce_max3A, %reduce_max3A_8 [1, 2] : vector<1x32x128xf32> to vector<1xf32>
    %reduce_max3A_10 = vector.shape_cast %reduce_max3A_9 : vector<1xf32> to vector<1x1x1xf32>
    %reduce_max3A_11 = vector.extract %reduce_max3A_10[0, 0, 0] : f32 from vector<1x1x1xf32>
    %eq3A = vector.broadcast %reduce_max3A_11 : f32 to vector<32x128xf32>
    %eq3A_12 = arith.cmpf oeq, %get3A_1, %eq3A : vector<32x128xf32>
    %jit3A = arith.constant 2147483647 : i32
    %broadcast_in_dim3A_13 = vector.broadcast %jit3A : i32 to vector<32x128xi32>
    %select_n3A = arith.select %eq3A_12, %get3A_4, %broadcast_in_dim3A_13 : vector<32x128xi1>, vector<32x128xi32>
    %reduce_min3A = vector.shape_cast %select_n3A : vector<32x128xi32> to vector<1x32x128xi32>
    %reduce_min3A_14 = arith.constant dense<2147483647> : vector<1xi32>
    %reduce_min3A_15 = vector.multi_reduction <minsi>, %reduce_min3A, %reduce_min3A_14 [1, 2] : vector<1x32x128xi32> to vector<1xi32>
    %reduce_min3A_16 = vector.shape_cast %reduce_min3A_15 : vector<1xi32> to vector<1x1x1xi32>
    %reduce_min3A_17 = vector.extract %reduce_min3A_16[0, 0, 0] : i32 from vector<1x1x1xi32>
    %eq3A_18 = arith.constant 0 : i32
    %eq3A_19 = vector.broadcast %eq3A_18 : i32 to vector<1x64xi32>
    %eq3A_20 = arith.cmpi eq, %iota3A, %eq3A_19 : vector<1x64xi32>
    %broadcast_in_dim3A_21 = vector.broadcast %reduce_max3A_11 : f32 to vector<1x64xf32>
    %select_n3A_22 = arith.select %eq3A_20, %broadcast_in_dim3A_21, %broadcast_in_dim3A_5 : vector<1x64xi1>, vector<1x64xf32>
    %eq3A_23 = arith.constant 0 : i32
    %eq3A_24 = vector.broadcast %eq3A_23 : i32 to vector<1x64xi32>
    %eq3A_25 = arith.cmpi eq, %iota3A, %eq3A_24 : vector<1x64xi32>
    %broadcast_in_dim3A_26 = vector.broadcast %reduce_min3A_17 : i32 to vector<1x64xi32>
    %select_n3A_27 = arith.select %eq3A_25, %broadcast_in_dim3A_26, %broadcast_in_dim3A_7 : vector<1x64xi1>, vector<1x64xi32>
    %jit3A_28 = arith.constant -3.000000e+38 : f32
    %broadcast_in_dim3A_29 = vector.broadcast %jit3A_28 : f32 to vector<32x128xf32>
    %select_n3A_30 = arith.select %eq3A_12, %broadcast_in_dim3A_29, %get3A_1 : vector<32x128xi1>, vector<32x128xf32>
    %reduce_max3A_31 = vector.shape_cast %select_n3A_30 : vector<32x128xf32> to vector<1x32x128xf32>
    %reduce_max3A_32 = arith.constant dense<0xFF800000> : vector<1xf32>
    %reduce_max3A_33 = vector.multi_reduction <maximumf>, %reduce_max3A_31, %reduce_max3A_32 [1, 2] : vector<1x32x128xf32> to vector<1xf32>
    %reduce_max3A_34 = vector.shape_cast %reduce_max3A_33 : vector<1xf32> to vector<1x1x1xf32>
    %reduce_max3A_35 = vector.extract %reduce_max3A_34[0, 0, 0] : f32 from vector<1x1x1xf32>
    %eq3A_36 = vector.broadcast %reduce_max3A_35 : f32 to vector<32x128xf32>
    %eq3A_37 = arith.cmpf oeq, %select_n3A_30, %eq3A_36 : vector<32x128xf32>
    %jit3A_38 = arith.constant 2147483647 : i32
    %broadcast_in_dim3A_39 = vector.broadcast %jit3A_38 : i32 to vector<32x128xi32>
    %select_n3A_40 = arith.select %eq3A_37, %get3A_4, %broadcast_in_dim3A_39 : vector<32x128xi1>, vector<32x128xi32>
    %reduce_min3A_41 = vector.shape_cast %select_n3A_40 : vector<32x128xi32> to vector<1x32x128xi32>
    %reduce_min3A_42 = arith.constant dense<2147483647> : vector<1xi32>
    %reduce_min3A_43 = vector.multi_reduction <minsi>, %reduce_min3A_41, %reduce_min3A_42 [1, 2] : vector<1x32x128xi32> to vector<1xi32>
    %reduce_min3A_44 = vector.shape_cast %reduce_min3A_43 : vector<1xi32> to vector<1x1x1xi32>
    %reduce_min3A_45 = vector.extract %reduce_min3A_44[0, 0, 0] : i32 from vector<1x1x1xi32>
    %eq3A_46 = arith.constant 1 : i32
    %eq3A_47 = vector.broadcast %eq3A_46 : i32 to vector<1x64xi32>
    %eq3A_48 = arith.cmpi eq, %iota3A, %eq3A_47 : vector<1x64xi32>
    %broadcast_in_dim3A_49 = vector.broadcast %reduce_max3A_35 : f32 to vector<1x64xf32>
    %select_n3A_50 = arith.select %eq3A_48, %broadcast_in_dim3A_49, %select_n3A_22 : vector<1x64xi1>, vector<1x64xf32>
    %eq3A_51 = arith.constant 1 : i32
    %eq3A_52 = vector.broadcast %eq3A_51 : i32 to vector<1x64xi32>
    %eq3A_53 = arith.cmpi eq, %iota3A, %eq3A_52 : vector<1x64xi32>
    %broadcast_in_dim3A_54 = vector.broadcast %reduce_min3A_45 : i32 to vector<1x64xi32>
    %select_n3A_55 = arith.select %eq3A_53, %broadcast_in_dim3A_54, %select_n3A_27 : vector<1x64xi1>, vector<1x64xi32>
    %jit3A_56 = arith.constant -3.000000e+38 : f32
    %broadcast_in_dim3A_57 = vector.broadcast %jit3A_56 : f32 to vector<32x128xf32>
    %select_n3A_58 = arith.select %eq3A_37, %broadcast_in_dim3A_57, %select_n3A_30 : vector<32x128xi1>, vector<32x128xf32>
    %reduce_max3A_59 = vector.shape_cast %select_n3A_58 : vector<32x128xf32> to vector<1x32x128xf32>
    %reduce_max3A_60 = arith.constant dense<0xFF800000> : vector<1xf32>
    %reduce_max3A_61 = vector.multi_reduction <maximumf>, %reduce_max3A_59, %reduce_max3A_60 [1, 2] : vector<1x32x128xf32> to vector<1xf32>
    %reduce_max3A_62 = vector.shape_cast %reduce_max3A_61 : vector<1xf32> to vector<1x1x1xf32>
    %reduce_max3A_63 = vector.extract %reduce_max3A_62[0, 0, 0] : f32 from vector<1x1x1xf32>
    %eq3A_64 = vector.broadcast %reduce_max3A_63 : f32 to vector<32x128xf32>
    %eq3A_65 = arith.cmpf oeq, %select_n3A_58, %eq3A_64 : vector<32x128xf32>
    %jit3A_66 = arith.constant 2147483647 : i32
    %broadcast_in_dim3A_67 = vector.broadcast %jit3A_66 : i32 to vector<32x128xi32>
    %select_n3A_68 = arith.select %eq3A_65, %get3A_4, %broadcast_in_dim3A_67 : vector<32x128xi1>, vector<32x128xi32>
    %reduce_min3A_69 = vector.shape_cast %select_n3A_68 : vector<32x128xi32> to vector<1x32x128xi32>
    %reduce_min3A_70 = arith.constant dense<2147483647> : vector<1xi32>
    %reduce_min3A_71 = vector.multi_reduction <minsi>, %reduce_min3A_69, %reduce_min3A_70 [1, 2] : vector<1x32x128xi32> to vector<1xi32>
    %reduce_min3A_72 = vector.shape_cast %reduce_min3A_71 : vector<1xi32> to vector<1x1x1xi32>
    %reduce_min3A_73 = vector.extract %reduce_min3A_72[0, 0, 0] : i32 from vector<1x1x1xi32>
    %eq3A_74 = arith.constant 2 : i32
    %eq3A_75 = vector.broadcast %eq3A_74 : i32 to vector<1x64xi32>
    %eq3A_76 = arith.cmpi eq, %iota3A, %eq3A_75 : vector<1x64xi32>
    %broadcast_in_dim3A_77 = vector.broadcast %reduce_max3A_63 : f32 to vector<1x64xf32>
    %select_n3A_78 = arith.select %eq3A_76, %broadcast_in_dim3A_77, %select_n3A_50 : vector<1x64xi1>, vector<1x64xf32>
    %eq3A_79 = arith.constant 2 : i32
    %eq3A_80 = vector.broadcast %eq3A_79 : i32 to vector<1x64xi32>
    %eq3A_81 = arith.cmpi eq, %iota3A, %eq3A_80 : vector<1x64xi32>
    %broadcast_in_dim3A_82 = vector.broadcast %reduce_min3A_73 : i32 to vector<1x64xi32>
    %select_n3A_83 = arith.select %eq3A_81, %broadcast_in_dim3A_82, %select_n3A_55 : vector<1x64xi1>, vector<1x64xi32>
    %jit3A_84 = arith.constant -3.000000e+38 : f32
    %broadcast_in_dim3A_85 = vector.broadcast %jit3A_84 : f32 to vector<32x128xf32>
    %select_n3A_86 = arith.select %eq3A_65, %broadcast_in_dim3A_85, %select_n3A_58 : vector<32x128xi1>, vector<32x128xf32>
    %reduce_max3A_87 = vector.shape_cast %select_n3A_86 : vector<32x128xf32> to vector<1x32x128xf32>
    %reduce_max3A_88 = arith.constant dense<0xFF800000> : vector<1xf32>
    %reduce_max3A_89 = vector.multi_reduction <maximumf>, %reduce_max3A_87, %reduce_max3A_88 [1, 2] : vector<1x32x128xf32> to vector<1xf32>
    %reduce_max3A_90 = vector.shape_cast %reduce_max3A_89 : vector<1xf32> to vector<1x1x1xf32>
    %reduce_max3A_91 = vector.extract %reduce_max3A_90[0, 0, 0] : f32 from vector<1x1x1xf32>
    %eq3A_92 = vector.broadcast %reduce_max3A_91 : f32 to vector<32x128xf32>
    %eq3A_93 = arith.cmpf oeq, %select_n3A_86, %eq3A_92 : vector<32x128xf32>
    %jit3A_94 = arith.constant 2147483647 : i32
    %broadcast_in_dim3A_95 = vector.broadcast %jit3A_94 : i32 to vector<32x128xi32>
    %select_n3A_96 = arith.select %eq3A_93, %get3A_4, %broadcast_in_dim3A_95 : vector<32x128xi1>, vector<32x128xi32>
    %reduce_min3A_97 = vector.shape_cast %select_n3A_96 : vector<32x128xi32> to vector<1x32x128xi32>
    %reduce_min3A_98 = arith.constant dense<2147483647> : vector<1xi32>
    %reduce_min3A_99 = vector.multi_reduction <minsi>, %reduce_min3A_97, %reduce_min3A_98 [1, 2] : vector<1x32x128xi32> to vector<1xi32>
    %reduce_min3A_100 = vector.shape_cast %reduce_min3A_99 : vector<1xi32> to vector<1x1x1xi32>
    %reduce_min3A_101 = vector.extract %reduce_min3A_100[0, 0, 0] : i32 from vector<1x1x1xi32>
    %eq3A_102 = arith.constant 3 : i32
    %eq3A_103 = vector.broadcast %eq3A_102 : i32 to vector<1x64xi32>
    %eq3A_104 = arith.cmpi eq, %iota3A, %eq3A_103 : vector<1x64xi32>
    %broadcast_in_dim3A_105 = vector.broadcast %reduce_max3A_91 : f32 to vector<1x64xf32>
    %select_n3A_106 = arith.select %eq3A_104, %broadcast_in_dim3A_105, %select_n3A_78 : vector<1x64xi1>, vector<1x64xf32>
    %eq3A_107 = arith.constant 3 : i32
    %eq3A_108 = vector.broadcast %eq3A_107 : i32 to vector<1x64xi32>
    %eq3A_109 = arith.cmpi eq, %iota3A, %eq3A_108 : vector<1x64xi32>
    %broadcast_in_dim3A_110 = vector.broadcast %reduce_min3A_101 : i32 to vector<1x64xi32>
    %select_n3A_111 = arith.select %eq3A_109, %broadcast_in_dim3A_110, %select_n3A_83 : vector<1x64xi1>, vector<1x64xi32>
    %jit3A_112 = arith.constant -3.000000e+38 : f32
    %broadcast_in_dim3A_113 = vector.broadcast %jit3A_112 : f32 to vector<32x128xf32>
    %select_n3A_114 = arith.select %eq3A_93, %broadcast_in_dim3A_113, %select_n3A_86 : vector<32x128xi1>, vector<32x128xf32>
    %reduce_max3A_115 = vector.shape_cast %select_n3A_114 : vector<32x128xf32> to vector<1x32x128xf32>
    %reduce_max3A_116 = arith.constant dense<0xFF800000> : vector<1xf32>
    %reduce_max3A_117 = vector.multi_reduction <maximumf>, %reduce_max3A_115, %reduce_max3A_116 [1, 2] : vector<1x32x128xf32> to vector<1xf32>
    %reduce_max3A_118 = vector.shape_cast %reduce_max3A_117 : vector<1xf32> to vector<1x1x1xf32>
    %reduce_max3A_119 = vector.extract %reduce_max3A_118[0, 0, 0] : f32 from vector<1x1x1xf32>
    %eq3A_120 = vector.broadcast %reduce_max3A_119 : f32 to vector<32x128xf32>
    %eq3A_121 = arith.cmpf oeq, %select_n3A_114, %eq3A_120 : vector<32x128xf32>
    %jit3A_122 = arith.constant 2147483647 : i32
    %broadcast_in_dim3A_123 = vector.broadcast %jit3A_122 : i32 to vector<32x128xi32>
    %select_n3A_124 = arith.select %eq3A_121, %get3A_4, %broadcast_in_dim3A_123 : vector<32x128xi1>, vector<32x128xi32>
    %reduce_min3A_125 = vector.shape_cast %select_n3A_124 : vector<32x128xi32> to vector<1x32x128xi32>
    %reduce_min3A_126 = arith.constant dense<2147483647> : vector<1xi32>
    %reduce_min3A_127 = vector.multi_reduction <minsi>, %reduce_min3A_125, %reduce_min3A_126 [1, 2] : vector<1x32x128xi32> to vector<1xi32>
    %reduce_min3A_128 = vector.shape_cast %reduce_min3A_127 : vector<1xi32> to vector<1x1x1xi32>
    %reduce_min3A_129 = vector.extract %reduce_min3A_128[0, 0, 0] : i32 from vector<1x1x1xi32>
    %eq3A_130 = arith.constant 4 : i32
    %eq3A_131 = vector.broadcast %eq3A_130 : i32 to vector<1x64xi32>
    %eq3A_132 = arith.cmpi eq, %iota3A, %eq3A_131 : vector<1x64xi32>
    %broadcast_in_dim3A_133 = vector.broadcast %reduce_max3A_119 : f32 to vector<1x64xf32>
    %select_n3A_134 = arith.select %eq3A_132, %broadcast_in_dim3A_133, %select_n3A_106 : vector<1x64xi1>, vector<1x64xf32>
    %eq3A_135 = arith.constant 4 : i32
    %eq3A_136 = vector.broadcast %eq3A_135 : i32 to vector<1x64xi32>
    %eq3A_137 = arith.cmpi eq, %iota3A, %eq3A_136 : vector<1x64xi32>
    %broadcast_in_dim3A_138 = vector.broadcast %reduce_min3A_129 : i32 to vector<1x64xi32>
    %select_n3A_139 = arith.select %eq3A_137, %broadcast_in_dim3A_138, %select_n3A_111 : vector<1x64xi1>, vector<1x64xi32>
    %jit3A_140 = arith.constant -3.000000e+38 : f32
    %broadcast_in_dim3A_141 = vector.broadcast %jit3A_140 : f32 to vector<32x128xf32>
    %select_n3A_142 = arith.select %eq3A_121, %broadcast_in_dim3A_141, %select_n3A_114 : vector<32x128xi1>, vector<32x128xf32>
    %reduce_max3A_143 = vector.shape_cast %select_n3A_142 : vector<32x128xf32> to vector<1x32x128xf32>
    %reduce_max3A_144 = arith.constant dense<0xFF800000> : vector<1xf32>
    %reduce_max3A_145 = vector.multi_reduction <maximumf>, %reduce_max3A_143, %reduce_max3A_144 [1, 2] : vector<1x32x128xf32> to vector<1xf32>
    %reduce_max3A_146 = vector.shape_cast %reduce_max3A_145 : vector<1xf32> to vector<1x1x1xf32>
    %reduce_max3A_147 = vector.extract %reduce_max3A_146[0, 0, 0] : f32 from vector<1x1x1xf32>
    %eq3A_148 = vector.broadcast %reduce_max3A_147 : f32 to vector<32x128xf32>
    %eq3A_149 = arith.cmpf oeq, %select_n3A_142, %eq3A_148 : vector<32x128xf32>
    %jit3A_150 = arith.constant 2147483647 : i32
    %broadcast_in_dim3A_151 = vector.broadcast %jit3A_150 : i32 to vector<32x128xi32>
    %select_n3A_152 = arith.select %eq3A_149, %get3A_4, %broadcast_in_dim3A_151 : vector<32x128xi1>, vector<32x128xi32>
    %reduce_min3A_153 = vector.shape_cast %select_n3A_152 : vector<32x128xi32> to vector<1x32x128xi32>
    %reduce_min3A_154 = arith.constant dense<2147483647> : vector<1xi32>
    %reduce_min3A_155 = vector.multi_reduction <minsi>, %reduce_min3A_153, %reduce_min3A_154 [1, 2] : vector<1x32x128xi32> to vector<1xi32>
    %reduce_min3A_156 = vector.shape_cast %reduce_min3A_155 : vector<1xi32> to vector<1x1x1xi32>
    %reduce_min3A_157 = vector.extract %reduce_min3A_156[0, 0, 0] : i32 from vector<1x1x1xi32>
    %eq3A_158 = arith.constant 5 : i32
    %eq3A_159 = vector.broadcast %eq3A_158 : i32 to vector<1x64xi32>
    %eq3A_160 = arith.cmpi eq, %iota3A, %eq3A_159 : vector<1x64xi32>
    %broadcast_in_dim3A_161 = vector.broadcast %reduce_max3A_147 : f32 to vector<1x64xf32>
    %select_n3A_162 = arith.select %eq3A_160, %broadcast_in_dim3A_161, %select_n3A_134 : vector<1x64xi1>, vector<1x64xf32>
    %eq3A_163 = arith.constant 5 : i32
    %eq3A_164 = vector.broadcast %eq3A_163 : i32 to vector<1x64xi32>
    %eq3A_165 = arith.cmpi eq, %iota3A, %eq3A_164 : vector<1x64xi32>
    %broadcast_in_dim3A_166 = vector.broadcast %reduce_min3A_157 : i32 to vector<1x64xi32>
    %select_n3A_167 = arith.select %eq3A_165, %broadcast_in_dim3A_166, %select_n3A_139 : vector<1x64xi1>, vector<1x64xi32>
    %jit3A_168 = arith.constant -3.000000e+38 : f32
    %broadcast_in_dim3A_169 = vector.broadcast %jit3A_168 : f32 to vector<32x128xf32>
    %select_n3A_170 = arith.select %eq3A_149, %broadcast_in_dim3A_169, %select_n3A_142 : vector<32x128xi1>, vector<32x128xf32>
    %reduce_max3A_171 = vector.shape_cast %select_n3A_170 : vector<32x128xf32> to vector<1x32x128xf32>
    %reduce_max3A_172 = arith.constant dense<0xFF800000> : vector<1xf32>
    %reduce_max3A_173 = vector.multi_reduction <maximumf>, %reduce_max3A_171, %reduce_max3A_172 [1, 2] : vector<1x32x128xf32> to vector<1xf32>
    %reduce_max3A_174 = vector.shape_cast %reduce_max3A_173 : vector<1xf32> to vector<1x1x1xf32>
    %reduce_max3A_175 = vector.extract %reduce_max3A_174[0, 0, 0] : f32 from vector<1x1x1xf32>
    %eq3A_176 = vector.broadcast %reduce_max3A_175 : f32 to vector<32x128xf32>
    %eq3A_177 = arith.cmpf oeq, %select_n3A_170, %eq3A_176 : vector<32x128xf32>
    %jit3A_178 = arith.constant 2147483647 : i32
    %broadcast_in_dim3A_179 = vector.broadcast %jit3A_178 : i32 to vector<32x128xi32>
    %select_n3A_180 = arith.select %eq3A_177, %get3A_4, %broadcast_in_dim3A_179 : vector<32x128xi1>, vector<32x128xi32>
    %reduce_min3A_181 = vector.shape_cast %select_n3A_180 : vector<32x128xi32> to vector<1x32x128xi32>
    %reduce_min3A_182 = arith.constant dense<2147483647> : vector<1xi32>
    %reduce_min3A_183 = vector.multi_reduction <minsi>, %reduce_min3A_181, %reduce_min3A_182 [1, 2] : vector<1x32x128xi32> to vector<1xi32>
    %reduce_min3A_184 = vector.shape_cast %reduce_min3A_183 : vector<1xi32> to vector<1x1x1xi32>
    %reduce_min3A_185 = vector.extract %reduce_min3A_184[0, 0, 0] : i32 from vector<1x1x1xi32>
    %eq3A_186 = arith.constant 6 : i32
    %eq3A_187 = vector.broadcast %eq3A_186 : i32 to vector<1x64xi32>
    %eq3A_188 = arith.cmpi eq, %iota3A, %eq3A_187 : vector<1x64xi32>
    %broadcast_in_dim3A_189 = vector.broadcast %reduce_max3A_175 : f32 to vector<1x64xf32>
    %select_n3A_190 = arith.select %eq3A_188, %broadcast_in_dim3A_189, %select_n3A_162 : vector<1x64xi1>, vector<1x64xf32>
    %eq3A_191 = arith.constant 6 : i32
    %eq3A_192 = vector.broadcast %eq3A_191 : i32 to vector<1x64xi32>
    %eq3A_193 = arith.cmpi eq, %iota3A, %eq3A_192 : vector<1x64xi32>
    %broadcast_in_dim3A_194 = vector.broadcast %reduce_min3A_185 : i32 to vector<1x64xi32>
    %select_n3A_195 = arith.select %eq3A_193, %broadcast_in_dim3A_194, %select_n3A_167 : vector<1x64xi1>, vector<1x64xi32>
    %jit3A_196 = arith.constant -3.000000e+38 : f32
    %broadcast_in_dim3A_197 = vector.broadcast %jit3A_196 : f32 to vector<32x128xf32>
    %select_n3A_198 = arith.select %eq3A_177, %broadcast_in_dim3A_197, %select_n3A_170 : vector<32x128xi1>, vector<32x128xf32>
    %reduce_max3A_199 = vector.shape_cast %select_n3A_198 : vector<32x128xf32> to vector<1x32x128xf32>
    %reduce_max3A_200 = arith.constant dense<0xFF800000> : vector<1xf32>
    %reduce_max3A_201 = vector.multi_reduction <maximumf>, %reduce_max3A_199, %reduce_max3A_200 [1, 2] : vector<1x32x128xf32> to vector<1xf32>
    %reduce_max3A_202 = vector.shape_cast %reduce_max3A_201 : vector<1xf32> to vector<1x1x1xf32>
    %reduce_max3A_203 = vector.extract %reduce_max3A_202[0, 0, 0] : f32 from vector<1x1x1xf32>
    %eq3A_204 = vector.broadcast %reduce_max3A_203 : f32 to vector<32x128xf32>
    %eq3A_205 = arith.cmpf oeq, %select_n3A_198, %eq3A_204 : vector<32x128xf32>
    %jit3A_206 = arith.constant 2147483647 : i32
    %broadcast_in_dim3A_207 = vector.broadcast %jit3A_206 : i32 to vector<32x128xi32>
    %select_n3A_208 = arith.select %eq3A_205, %get3A_4, %broadcast_in_dim3A_207 : vector<32x128xi1>, vector<32x128xi32>
    %reduce_min3A_209 = vector.shape_cast %select_n3A_208 : vector<32x128xi32> to vector<1x32x128xi32>
    %reduce_min3A_210 = arith.constant dense<2147483647> : vector<1xi32>
    %reduce_min3A_211 = vector.multi_reduction <minsi>, %reduce_min3A_209, %reduce_min3A_210 [1, 2] : vector<1x32x128xi32> to vector<1xi32>
    %reduce_min3A_212 = vector.shape_cast %reduce_min3A_211 : vector<1xi32> to vector<1x1x1xi32>
    %reduce_min3A_213 = vector.extract %reduce_min3A_212[0, 0, 0] : i32 from vector<1x1x1xi32>
    %eq3A_214 = arith.constant 7 : i32
    %eq3A_215 = vector.broadcast %eq3A_214 : i32 to vector<1x64xi32>
    %eq3A_216 = arith.cmpi eq, %iota3A, %eq3A_215 : vector<1x64xi32>
    %broadcast_in_dim3A_217 = vector.broadcast %reduce_max3A_203 : f32 to vector<1x64xf32>
    %select_n3A_218 = arith.select %eq3A_216, %broadcast_in_dim3A_217, %select_n3A_190 : vector<1x64xi1>, vector<1x64xf32>
    %eq3A_219 = arith.constant 7 : i32
    %eq3A_220 = vector.broadcast %eq3A_219 : i32 to vector<1x64xi32>
    %eq3A_221 = arith.cmpi eq, %iota3A, %eq3A_220 : vector<1x64xi32>
    %broadcast_in_dim3A_222 = vector.broadcast %reduce_min3A_213 : i32 to vector<1x64xi32>
    %select_n3A_223 = arith.select %eq3A_221, %broadcast_in_dim3A_222, %select_n3A_195 : vector<1x64xi1>, vector<1x64xi32>
    %jit3A_224 = arith.constant -3.000000e+38 : f32
    %broadcast_in_dim3A_225 = vector.broadcast %jit3A_224 : f32 to vector<32x128xf32>
    %select_n3A_226 = arith.select %eq3A_205, %broadcast_in_dim3A_225, %select_n3A_198 : vector<32x128xi1>, vector<32x128xf32>
    %reduce_max3A_227 = vector.shape_cast %select_n3A_226 : vector<32x128xf32> to vector<1x32x128xf32>
    %reduce_max3A_228 = arith.constant dense<0xFF800000> : vector<1xf32>
    %reduce_max3A_229 = vector.multi_reduction <maximumf>, %reduce_max3A_227, %reduce_max3A_228 [1, 2] : vector<1x32x128xf32> to vector<1xf32>
    %reduce_max3A_230 = vector.shape_cast %reduce_max3A_229 : vector<1xf32> to vector<1x1x1xf32>
    %reduce_max3A_231 = vector.extract %reduce_max3A_230[0, 0, 0] : f32 from vector<1x1x1xf32>
    %eq3A_232 = vector.broadcast %reduce_max3A_231 : f32 to vector<32x128xf32>
    %eq3A_233 = arith.cmpf oeq, %select_n3A_226, %eq3A_232 : vector<32x128xf32>
    %jit3A_234 = arith.constant 2147483647 : i32
    %broadcast_in_dim3A_235 = vector.broadcast %jit3A_234 : i32 to vector<32x128xi32>
    %select_n3A_236 = arith.select %eq3A_233, %get3A_4, %broadcast_in_dim3A_235 : vector<32x128xi1>, vector<32x128xi32>
    %reduce_min3A_237 = vector.shape_cast %select_n3A_236 : vector<32x128xi32> to vector<1x32x128xi32>
    %reduce_min3A_238 = arith.constant dense<2147483647> : vector<1xi32>
    %reduce_min3A_239 = vector.multi_reduction <minsi>, %reduce_min3A_237, %reduce_min3A_238 [1, 2] : vector<1x32x128xi32> to vector<1xi32>
    %reduce_min3A_240 = vector.shape_cast %reduce_min3A_239 : vector<1xi32> to vector<1x1x1xi32>
    %reduce_min3A_241 = vector.extract %reduce_min3A_240[0, 0, 0] : i32 from vector<1x1x1xi32>
    %eq3A_242 = arith.constant 8 : i32
    %eq3A_243 = vector.broadcast %eq3A_242 : i32 to vector<1x64xi32>
    %eq3A_244 = arith.cmpi eq, %iota3A, %eq3A_243 : vector<1x64xi32>
    %broadcast_in_dim3A_245 = vector.broadcast %reduce_max3A_231 : f32 to vector<1x64xf32>
    %select_n3A_246 = arith.select %eq3A_244, %broadcast_in_dim3A_245, %select_n3A_218 : vector<1x64xi1>, vector<1x64xf32>
    %eq3A_247 = arith.constant 8 : i32
    %eq3A_248 = vector.broadcast %eq3A_247 : i32 to vector<1x64xi32>
    %eq3A_249 = arith.cmpi eq, %iota3A, %eq3A_248 : vector<1x64xi32>
    %broadcast_in_dim3A_250 = vector.broadcast %reduce_min3A_241 : i32 to vector<1x64xi32>
    %select_n3A_251 = arith.select %eq3A_249, %broadcast_in_dim3A_250, %select_n3A_223 : vector<1x64xi1>, vector<1x64xi32>
    %jit3A_252 = arith.constant -3.000000e+38 : f32
    %broadcast_in_dim3A_253 = vector.broadcast %jit3A_252 : f32 to vector<32x128xf32>
    %select_n3A_254 = arith.select %eq3A_233, %broadcast_in_dim3A_253, %select_n3A_226 : vector<32x128xi1>, vector<32x128xf32>
    %reduce_max3A_255 = vector.shape_cast %select_n3A_254 : vector<32x128xf32> to vector<1x32x128xf32>
    %reduce_max3A_256 = arith.constant dense<0xFF800000> : vector<1xf32>
    %reduce_max3A_257 = vector.multi_reduction <maximumf>, %reduce_max3A_255, %reduce_max3A_256 [1, 2] : vector<1x32x128xf32> to vector<1xf32>
    %reduce_max3A_258 = vector.shape_cast %reduce_max3A_257 : vector<1xf32> to vector<1x1x1xf32>
    %reduce_max3A_259 = vector.extract %reduce_max3A_258[0, 0, 0] : f32 from vector<1x1x1xf32>
    %eq3A_260 = vector.broadcast %reduce_max3A_259 : f32 to vector<32x128xf32>
    %eq3A_261 = arith.cmpf oeq, %select_n3A_254, %eq3A_260 : vector<32x128xf32>
    %jit3A_262 = arith.constant 2147483647 : i32
    %broadcast_in_dim3A_263 = vector.broadcast %jit3A_262 : i32 to vector<32x128xi32>
    %select_n3A_264 = arith.select %eq3A_261, %get3A_4, %broadcast_in_dim3A_263 : vector<32x128xi1>, vector<32x128xi32>
    %reduce_min3A_265 = vector.shape_cast %select_n3A_264 : vector<32x128xi32> to vector<1x32x128xi32>
    %reduce_min3A_266 = arith.constant dense<2147483647> : vector<1xi32>
    %reduce_min3A_267 = vector.multi_reduction <minsi>, %reduce_min3A_265, %reduce_min3A_266 [1, 2] : vector<1x32x128xi32> to vector<1xi32>
    %reduce_min3A_268 = vector.shape_cast %reduce_min3A_267 : vector<1xi32> to vector<1x1x1xi32>
    %reduce_min3A_269 = vector.extract %reduce_min3A_268[0, 0, 0] : i32 from vector<1x1x1xi32>
    %eq3A_270 = arith.constant 9 : i32
    %eq3A_271 = vector.broadcast %eq3A_270 : i32 to vector<1x64xi32>
    %eq3A_272 = arith.cmpi eq, %iota3A, %eq3A_271 : vector<1x64xi32>
    %broadcast_in_dim3A_273 = vector.broadcast %reduce_max3A_259 : f32 to vector<1x64xf32>
    %select_n3A_274 = arith.select %eq3A_272, %broadcast_in_dim3A_273, %select_n3A_246 : vector<1x64xi1>, vector<1x64xf32>
    %eq3A_275 = arith.constant 9 : i32
    %eq3A_276 = vector.broadcast %eq3A_275 : i32 to vector<1x64xi32>
    %eq3A_277 = arith.cmpi eq, %iota3A, %eq3A_276 : vector<1x64xi32>
    %broadcast_in_dim3A_278 = vector.broadcast %reduce_min3A_269 : i32 to vector<1x64xi32>
    %select_n3A_279 = arith.select %eq3A_277, %broadcast_in_dim3A_278, %select_n3A_251 : vector<1x64xi1>, vector<1x64xi32>
    %jit3A_280 = arith.constant -3.000000e+38 : f32
    %broadcast_in_dim3A_281 = vector.broadcast %jit3A_280 : f32 to vector<32x128xf32>
    %select_n3A_282 = arith.select %eq3A_261, %broadcast_in_dim3A_281, %select_n3A_254 : vector<32x128xi1>, vector<32x128xf32>
    %reduce_max3A_283 = vector.shape_cast %select_n3A_282 : vector<32x128xf32> to vector<1x32x128xf32>
    %reduce_max3A_284 = arith.constant dense<0xFF800000> : vector<1xf32>
    %reduce_max3A_285 = vector.multi_reduction <maximumf>, %reduce_max3A_283, %reduce_max3A_284 [1, 2] : vector<1x32x128xf32> to vector<1xf32>
    %reduce_max3A_286 = vector.shape_cast %reduce_max3A_285 : vector<1xf32> to vector<1x1x1xf32>
    %reduce_max3A_287 = vector.extract %reduce_max3A_286[0, 0, 0] : f32 from vector<1x1x1xf32>
    %eq3A_288 = vector.broadcast %reduce_max3A_287 : f32 to vector<32x128xf32>
    %eq3A_289 = arith.cmpf oeq, %select_n3A_282, %eq3A_288 : vector<32x128xf32>
    %jit3A_290 = arith.constant 2147483647 : i32
    %broadcast_in_dim3A_291 = vector.broadcast %jit3A_290 : i32 to vector<32x128xi32>
    %select_n3A_292 = arith.select %eq3A_289, %get3A_4, %broadcast_in_dim3A_291 : vector<32x128xi1>, vector<32x128xi32>
    %reduce_min3A_293 = vector.shape_cast %select_n3A_292 : vector<32x128xi32> to vector<1x32x128xi32>
    %reduce_min3A_294 = arith.constant dense<2147483647> : vector<1xi32>
    %reduce_min3A_295 = vector.multi_reduction <minsi>, %reduce_min3A_293, %reduce_min3A_294 [1, 2] : vector<1x32x128xi32> to vector<1xi32>
    %reduce_min3A_296 = vector.shape_cast %reduce_min3A_295 : vector<1xi32> to vector<1x1x1xi32>
    %reduce_min3A_297 = vector.extract %reduce_min3A_296[0, 0, 0] : i32 from vector<1x1x1xi32>
    %eq3A_298 = arith.constant 10 : i32
    %eq3A_299 = vector.broadcast %eq3A_298 : i32 to vector<1x64xi32>
    %eq3A_300 = arith.cmpi eq, %iota3A, %eq3A_299 : vector<1x64xi32>
    %broadcast_in_dim3A_301 = vector.broadcast %reduce_max3A_287 : f32 to vector<1x64xf32>
    %select_n3A_302 = arith.select %eq3A_300, %broadcast_in_dim3A_301, %select_n3A_274 : vector<1x64xi1>, vector<1x64xf32>
    %eq3A_303 = arith.constant 10 : i32
    %eq3A_304 = vector.broadcast %eq3A_303 : i32 to vector<1x64xi32>
    %eq3A_305 = arith.cmpi eq, %iota3A, %eq3A_304 : vector<1x64xi32>
    %broadcast_in_dim3A_306 = vector.broadcast %reduce_min3A_297 : i32 to vector<1x64xi32>
    %select_n3A_307 = arith.select %eq3A_305, %broadcast_in_dim3A_306, %select_n3A_279 : vector<1x64xi1>, vector<1x64xi32>
    %jit3A_308 = arith.constant -3.000000e+38 : f32
    %broadcast_in_dim3A_309 = vector.broadcast %jit3A_308 : f32 to vector<32x128xf32>
    %select_n3A_310 = arith.select %eq3A_289, %broadcast_in_dim3A_309, %select_n3A_282 : vector<32x128xi1>, vector<32x128xf32>
    %reduce_max3A_311 = vector.shape_cast %select_n3A_310 : vector<32x128xf32> to vector<1x32x128xf32>
    %reduce_max3A_312 = arith.constant dense<0xFF800000> : vector<1xf32>
    %reduce_max3A_313 = vector.multi_reduction <maximumf>, %reduce_max3A_311, %reduce_max3A_312 [1, 2] : vector<1x32x128xf32> to vector<1xf32>
    %reduce_max3A_314 = vector.shape_cast %reduce_max3A_313 : vector<1xf32> to vector<1x1x1xf32>
    %reduce_max3A_315 = vector.extract %reduce_max3A_314[0, 0, 0] : f32 from vector<1x1x1xf32>
    %eq3A_316 = vector.broadcast %reduce_max3A_315 : f32 to vector<32x128xf32>
    %eq3A_317 = arith.cmpf oeq, %select_n3A_310, %eq3A_316 : vector<32x128xf32>
    %jit3A_318 = arith.constant 2147483647 : i32
    %broadcast_in_dim3A_319 = vector.broadcast %jit3A_318 : i32 to vector<32x128xi32>
    %select_n3A_320 = arith.select %eq3A_317, %get3A_4, %broadcast_in_dim3A_319 : vector<32x128xi1>, vector<32x128xi32>
    %reduce_min3A_321 = vector.shape_cast %select_n3A_320 : vector<32x128xi32> to vector<1x32x128xi32>
    %reduce_min3A_322 = arith.constant dense<2147483647> : vector<1xi32>
    %reduce_min3A_323 = vector.multi_reduction <minsi>, %reduce_min3A_321, %reduce_min3A_322 [1, 2] : vector<1x32x128xi32> to vector<1xi32>
    %reduce_min3A_324 = vector.shape_cast %reduce_min3A_323 : vector<1xi32> to vector<1x1x1xi32>
    %reduce_min3A_325 = vector.extract %reduce_min3A_324[0, 0, 0] : i32 from vector<1x1x1xi32>
    %eq3A_326 = arith.constant 11 : i32
    %eq3A_327 = vector.broadcast %eq3A_326 : i32 to vector<1x64xi32>
    %eq3A_328 = arith.cmpi eq, %iota3A, %eq3A_327 : vector<1x64xi32>
    %broadcast_in_dim3A_329 = vector.broadcast %reduce_max3A_315 : f32 to vector<1x64xf32>
    %select_n3A_330 = arith.select %eq3A_328, %broadcast_in_dim3A_329, %select_n3A_302 : vector<1x64xi1>, vector<1x64xf32>
    %eq3A_331 = arith.constant 11 : i32
    %eq3A_332 = vector.broadcast %eq3A_331 : i32 to vector<1x64xi32>
    %eq3A_333 = arith.cmpi eq, %iota3A, %eq3A_332 : vector<1x64xi32>
    %broadcast_in_dim3A_334 = vector.broadcast %reduce_min3A_325 : i32 to vector<1x64xi32>
    %select_n3A_335 = arith.select %eq3A_333, %broadcast_in_dim3A_334, %select_n3A_307 : vector<1x64xi1>, vector<1x64xi32>
    %jit3A_336 = arith.constant -3.000000e+38 : f32
    %broadcast_in_dim3A_337 = vector.broadcast %jit3A_336 : f32 to vector<32x128xf32>
    %select_n3A_338 = arith.select %eq3A_317, %broadcast_in_dim3A_337, %select_n3A_310 : vector<32x128xi1>, vector<32x128xf32>
    %reduce_max3A_339 = vector.shape_cast %select_n3A_338 : vector<32x128xf32> to vector<1x32x128xf32>
    %reduce_max3A_340 = arith.constant dense<0xFF800000> : vector<1xf32>
    %reduce_max3A_341 = vector.multi_reduction <maximumf>, %reduce_max3A_339, %reduce_max3A_340 [1, 2] : vector<1x32x128xf32> to vector<1xf32>
    %reduce_max3A_342 = vector.shape_cast %reduce_max3A_341 : vector<1xf32> to vector<1x1x1xf32>
    %reduce_max3A_343 = vector.extract %reduce_max3A_342[0, 0, 0] : f32 from vector<1x1x1xf32>
    %eq3A_344 = vector.broadcast %reduce_max3A_343 : f32 to vector<32x128xf32>
    %eq3A_345 = arith.cmpf oeq, %select_n3A_338, %eq3A_344 : vector<32x128xf32>
    %jit3A_346 = arith.constant 2147483647 : i32
    %broadcast_in_dim3A_347 = vector.broadcast %jit3A_346 : i32 to vector<32x128xi32>
    %select_n3A_348 = arith.select %eq3A_345, %get3A_4, %broadcast_in_dim3A_347 : vector<32x128xi1>, vector<32x128xi32>
    %reduce_min3A_349 = vector.shape_cast %select_n3A_348 : vector<32x128xi32> to vector<1x32x128xi32>
    %reduce_min3A_350 = arith.constant dense<2147483647> : vector<1xi32>
    %reduce_min3A_351 = vector.multi_reduction <minsi>, %reduce_min3A_349, %reduce_min3A_350 [1, 2] : vector<1x32x128xi32> to vector<1xi32>
    %reduce_min3A_352 = vector.shape_cast %reduce_min3A_351 : vector<1xi32> to vector<1x1x1xi32>
    %reduce_min3A_353 = vector.extract %reduce_min3A_352[0, 0, 0] : i32 from vector<1x1x1xi32>
    %eq3A_354 = arith.constant 12 : i32
    %eq3A_355 = vector.broadcast %eq3A_354 : i32 to vector<1x64xi32>
    %eq3A_356 = arith.cmpi eq, %iota3A, %eq3A_355 : vector<1x64xi32>
    %broadcast_in_dim3A_357 = vector.broadcast %reduce_max3A_343 : f32 to vector<1x64xf32>
    %select_n3A_358 = arith.select %eq3A_356, %broadcast_in_dim3A_357, %select_n3A_330 : vector<1x64xi1>, vector<1x64xf32>
    %eq3A_359 = arith.constant 12 : i32
    %eq3A_360 = vector.broadcast %eq3A_359 : i32 to vector<1x64xi32>
    %eq3A_361 = arith.cmpi eq, %iota3A, %eq3A_360 : vector<1x64xi32>
    %broadcast_in_dim3A_362 = vector.broadcast %reduce_min3A_353 : i32 to vector<1x64xi32>
    %select_n3A_363 = arith.select %eq3A_361, %broadcast_in_dim3A_362, %select_n3A_335 : vector<1x64xi1>, vector<1x64xi32>
    %jit3A_364 = arith.constant -3.000000e+38 : f32
    %broadcast_in_dim3A_365 = vector.broadcast %jit3A_364 : f32 to vector<32x128xf32>
    %select_n3A_366 = arith.select %eq3A_345, %broadcast_in_dim3A_365, %select_n3A_338 : vector<32x128xi1>, vector<32x128xf32>
    %reduce_max3A_367 = vector.shape_cast %select_n3A_366 : vector<32x128xf32> to vector<1x32x128xf32>
    %reduce_max3A_368 = arith.constant dense<0xFF800000> : vector<1xf32>
    %reduce_max3A_369 = vector.multi_reduction <maximumf>, %reduce_max3A_367, %reduce_max3A_368 [1, 2] : vector<1x32x128xf32> to vector<1xf32>
    %reduce_max3A_370 = vector.shape_cast %reduce_max3A_369 : vector<1xf32> to vector<1x1x1xf32>
    %reduce_max3A_371 = vector.extract %reduce_max3A_370[0, 0, 0] : f32 from vector<1x1x1xf32>
    %eq3A_372 = vector.broadcast %reduce_max3A_371 : f32 to vector<32x128xf32>
    %eq3A_373 = arith.cmpf oeq, %select_n3A_366, %eq3A_372 : vector<32x128xf32>
    %jit3A_374 = arith.constant 2147483647 : i32
    %broadcast_in_dim3A_375 = vector.broadcast %jit3A_374 : i32 to vector<32x128xi32>
    %select_n3A_376 = arith.select %eq3A_373, %get3A_4, %broadcast_in_dim3A_375 : vector<32x128xi1>, vector<32x128xi32>
    %reduce_min3A_377 = vector.shape_cast %select_n3A_376 : vector<32x128xi32> to vector<1x32x128xi32>
    %reduce_min3A_378 = arith.constant dense<2147483647> : vector<1xi32>
    %reduce_min3A_379 = vector.multi_reduction <minsi>, %reduce_min3A_377, %reduce_min3A_378 [1, 2] : vector<1x32x128xi32> to vector<1xi32>
    %reduce_min3A_380 = vector.shape_cast %reduce_min3A_379 : vector<1xi32> to vector<1x1x1xi32>
    %reduce_min3A_381 = vector.extract %reduce_min3A_380[0, 0, 0] : i32 from vector<1x1x1xi32>
    %eq3A_382 = arith.constant 13 : i32
    %eq3A_383 = vector.broadcast %eq3A_382 : i32 to vector<1x64xi32>
    %eq3A_384 = arith.cmpi eq, %iota3A, %eq3A_383 : vector<1x64xi32>
    %broadcast_in_dim3A_385 = vector.broadcast %reduce_max3A_371 : f32 to vector<1x64xf32>
    %select_n3A_386 = arith.select %eq3A_384, %broadcast_in_dim3A_385, %select_n3A_358 : vector<1x64xi1>, vector<1x64xf32>
    %eq3A_387 = arith.constant 13 : i32
    %eq3A_388 = vector.broadcast %eq3A_387 : i32 to vector<1x64xi32>
    %eq3A_389 = arith.cmpi eq, %iota3A, %eq3A_388 : vector<1x64xi32>
    %broadcast_in_dim3A_390 = vector.broadcast %reduce_min3A_381 : i32 to vector<1x64xi32>
    %select_n3A_391 = arith.select %eq3A_389, %broadcast_in_dim3A_390, %select_n3A_363 : vector<1x64xi1>, vector<1x64xi32>
    %jit3A_392 = arith.constant -3.000000e+38 : f32
    %broadcast_in_dim3A_393 = vector.broadcast %jit3A_392 : f32 to vector<32x128xf32>
    %select_n3A_394 = arith.select %eq3A_373, %broadcast_in_dim3A_393, %select_n3A_366 : vector<32x128xi1>, vector<32x128xf32>
    %reduce_max3A_395 = vector.shape_cast %select_n3A_394 : vector<32x128xf32> to vector<1x32x128xf32>
    %reduce_max3A_396 = arith.constant dense<0xFF800000> : vector<1xf32>
    %reduce_max3A_397 = vector.multi_reduction <maximumf>, %reduce_max3A_395, %reduce_max3A_396 [1, 2] : vector<1x32x128xf32> to vector<1xf32>
    %reduce_max3A_398 = vector.shape_cast %reduce_max3A_397 : vector<1xf32> to vector<1x1x1xf32>
    %reduce_max3A_399 = vector.extract %reduce_max3A_398[0, 0, 0] : f32 from vector<1x1x1xf32>
    %eq3A_400 = vector.broadcast %reduce_max3A_399 : f32 to vector<32x128xf32>
    %eq3A_401 = arith.cmpf oeq, %select_n3A_394, %eq3A_400 : vector<32x128xf32>
    %jit3A_402 = arith.constant 2147483647 : i32
    %broadcast_in_dim3A_403 = vector.broadcast %jit3A_402 : i32 to vector<32x128xi32>
    %select_n3A_404 = arith.select %eq3A_401, %get3A_4, %broadcast_in_dim3A_403 : vector<32x128xi1>, vector<32x128xi32>
    %reduce_min3A_405 = vector.shape_cast %select_n3A_404 : vector<32x128xi32> to vector<1x32x128xi32>
    %reduce_min3A_406 = arith.constant dense<2147483647> : vector<1xi32>
    %reduce_min3A_407 = vector.multi_reduction <minsi>, %reduce_min3A_405, %reduce_min3A_406 [1, 2] : vector<1x32x128xi32> to vector<1xi32>
    %reduce_min3A_408 = vector.shape_cast %reduce_min3A_407 : vector<1xi32> to vector<1x1x1xi32>
    %reduce_min3A_409 = vector.extract %reduce_min3A_408[0, 0, 0] : i32 from vector<1x1x1xi32>
    %eq3A_410 = arith.constant 14 : i32
    %eq3A_411 = vector.broadcast %eq3A_410 : i32 to vector<1x64xi32>
    %eq3A_412 = arith.cmpi eq, %iota3A, %eq3A_411 : vector<1x64xi32>
    %broadcast_in_dim3A_413 = vector.broadcast %reduce_max3A_399 : f32 to vector<1x64xf32>
    %select_n3A_414 = arith.select %eq3A_412, %broadcast_in_dim3A_413, %select_n3A_386 : vector<1x64xi1>, vector<1x64xf32>
    %eq3A_415 = arith.constant 14 : i32
    %eq3A_416 = vector.broadcast %eq3A_415 : i32 to vector<1x64xi32>
    %eq3A_417 = arith.cmpi eq, %iota3A, %eq3A_416 : vector<1x64xi32>
    %broadcast_in_dim3A_418 = vector.broadcast %reduce_min3A_409 : i32 to vector<1x64xi32>
    %select_n3A_419 = arith.select %eq3A_417, %broadcast_in_dim3A_418, %select_n3A_391 : vector<1x64xi1>, vector<1x64xi32>
    %jit3A_420 = arith.constant -3.000000e+38 : f32
    %broadcast_in_dim3A_421 = vector.broadcast %jit3A_420 : f32 to vector<32x128xf32>
    %select_n3A_422 = arith.select %eq3A_401, %broadcast_in_dim3A_421, %select_n3A_394 : vector<32x128xi1>, vector<32x128xf32>
    %reduce_max3A_423 = vector.shape_cast %select_n3A_422 : vector<32x128xf32> to vector<1x32x128xf32>
    %reduce_max3A_424 = arith.constant dense<0xFF800000> : vector<1xf32>
    %reduce_max3A_425 = vector.multi_reduction <maximumf>, %reduce_max3A_423, %reduce_max3A_424 [1, 2] : vector<1x32x128xf32> to vector<1xf32>
    %reduce_max3A_426 = vector.shape_cast %reduce_max3A_425 : vector<1xf32> to vector<1x1x1xf32>
    %reduce_max3A_427 = vector.extract %reduce_max3A_426[0, 0, 0] : f32 from vector<1x1x1xf32>
    %eq3A_428 = vector.broadcast %reduce_max3A_427 : f32 to vector<32x128xf32>
    %eq3A_429 = arith.cmpf oeq, %select_n3A_422, %eq3A_428 : vector<32x128xf32>
    %jit3A_430 = arith.constant 2147483647 : i32
    %broadcast_in_dim3A_431 = vector.broadcast %jit3A_430 : i32 to vector<32x128xi32>
    %select_n3A_432 = arith.select %eq3A_429, %get3A_4, %broadcast_in_dim3A_431 : vector<32x128xi1>, vector<32x128xi32>
    %reduce_min3A_433 = vector.shape_cast %select_n3A_432 : vector<32x128xi32> to vector<1x32x128xi32>
    %reduce_min3A_434 = arith.constant dense<2147483647> : vector<1xi32>
    %reduce_min3A_435 = vector.multi_reduction <minsi>, %reduce_min3A_433, %reduce_min3A_434 [1, 2] : vector<1x32x128xi32> to vector<1xi32>
    %reduce_min3A_436 = vector.shape_cast %reduce_min3A_435 : vector<1xi32> to vector<1x1x1xi32>
    %reduce_min3A_437 = vector.extract %reduce_min3A_436[0, 0, 0] : i32 from vector<1x1x1xi32>
    %eq3A_438 = arith.constant 15 : i32
    %eq3A_439 = vector.broadcast %eq3A_438 : i32 to vector<1x64xi32>
    %eq3A_440 = arith.cmpi eq, %iota3A, %eq3A_439 : vector<1x64xi32>
    %broadcast_in_dim3A_441 = vector.broadcast %reduce_max3A_427 : f32 to vector<1x64xf32>
    %select_n3A_442 = arith.select %eq3A_440, %broadcast_in_dim3A_441, %select_n3A_414 : vector<1x64xi1>, vector<1x64xf32>
    %eq3A_443 = arith.constant 15 : i32
    %eq3A_444 = vector.broadcast %eq3A_443 : i32 to vector<1x64xi32>
    %eq3A_445 = arith.cmpi eq, %iota3A, %eq3A_444 : vector<1x64xi32>
    %broadcast_in_dim3A_446 = vector.broadcast %reduce_min3A_437 : i32 to vector<1x64xi32>
    %select_n3A_447 = arith.select %eq3A_445, %broadcast_in_dim3A_446, %select_n3A_419 : vector<1x64xi1>, vector<1x64xi32>
    %jit3A_448 = arith.constant -3.000000e+38 : f32
    %broadcast_in_dim3A_449 = vector.broadcast %jit3A_448 : f32 to vector<32x128xf32>
    %select_n3A_450 = arith.select %eq3A_429, %broadcast_in_dim3A_449, %select_n3A_422 : vector<32x128xi1>, vector<32x128xf32>
    %reduce_max3A_451 = vector.shape_cast %select_n3A_450 : vector<32x128xf32> to vector<1x32x128xf32>
    %reduce_max3A_452 = arith.constant dense<0xFF800000> : vector<1xf32>
    %reduce_max3A_453 = vector.multi_reduction <maximumf>, %reduce_max3A_451, %reduce_max3A_452 [1, 2] : vector<1x32x128xf32> to vector<1xf32>
    %reduce_max3A_454 = vector.shape_cast %reduce_max3A_453 : vector<1xf32> to vector<1x1x1xf32>
    %reduce_max3A_455 = vector.extract %reduce_max3A_454[0, 0, 0] : f32 from vector<1x1x1xf32>
    %eq3A_456 = vector.broadcast %reduce_max3A_455 : f32 to vector<32x128xf32>
    %eq3A_457 = arith.cmpf oeq, %select_n3A_450, %eq3A_456 : vector<32x128xf32>
    %jit3A_458 = arith.constant 2147483647 : i32
    %broadcast_in_dim3A_459 = vector.broadcast %jit3A_458 : i32 to vector<32x128xi32>
    %select_n3A_460 = arith.select %eq3A_457, %get3A_4, %broadcast_in_dim3A_459 : vector<32x128xi1>, vector<32x128xi32>
    %reduce_min3A_461 = vector.shape_cast %select_n3A_460 : vector<32x128xi32> to vector<1x32x128xi32>
    %reduce_min3A_462 = arith.constant dense<2147483647> : vector<1xi32>
    %reduce_min3A_463 = vector.multi_reduction <minsi>, %reduce_min3A_461, %reduce_min3A_462 [1, 2] : vector<1x32x128xi32> to vector<1xi32>
    %reduce_min3A_464 = vector.shape_cast %reduce_min3A_463 : vector<1xi32> to vector<1x1x1xi32>
    %reduce_min3A_465 = vector.extract %reduce_min3A_464[0, 0, 0] : i32 from vector<1x1x1xi32>
    %eq3A_466 = arith.constant 16 : i32
    %eq3A_467 = vector.broadcast %eq3A_466 : i32 to vector<1x64xi32>
    %eq3A_468 = arith.cmpi eq, %iota3A, %eq3A_467 : vector<1x64xi32>
    %broadcast_in_dim3A_469 = vector.broadcast %reduce_max3A_455 : f32 to vector<1x64xf32>
    %select_n3A_470 = arith.select %eq3A_468, %broadcast_in_dim3A_469, %select_n3A_442 : vector<1x64xi1>, vector<1x64xf32>
    %eq3A_471 = arith.constant 16 : i32
    %eq3A_472 = vector.broadcast %eq3A_471 : i32 to vector<1x64xi32>
    %eq3A_473 = arith.cmpi eq, %iota3A, %eq3A_472 : vector<1x64xi32>
    %broadcast_in_dim3A_474 = vector.broadcast %reduce_min3A_465 : i32 to vector<1x64xi32>
    %select_n3A_475 = arith.select %eq3A_473, %broadcast_in_dim3A_474, %select_n3A_447 : vector<1x64xi1>, vector<1x64xi32>
    %jit3A_476 = arith.constant -3.000000e+38 : f32
    %broadcast_in_dim3A_477 = vector.broadcast %jit3A_476 : f32 to vector<32x128xf32>
    %select_n3A_478 = arith.select %eq3A_457, %broadcast_in_dim3A_477, %select_n3A_450 : vector<32x128xi1>, vector<32x128xf32>
    %reduce_max3A_479 = vector.shape_cast %select_n3A_478 : vector<32x128xf32> to vector<1x32x128xf32>
    %reduce_max3A_480 = arith.constant dense<0xFF800000> : vector<1xf32>
    %reduce_max3A_481 = vector.multi_reduction <maximumf>, %reduce_max3A_479, %reduce_max3A_480 [1, 2] : vector<1x32x128xf32> to vector<1xf32>
    %reduce_max3A_482 = vector.shape_cast %reduce_max3A_481 : vector<1xf32> to vector<1x1x1xf32>
    %reduce_max3A_483 = vector.extract %reduce_max3A_482[0, 0, 0] : f32 from vector<1x1x1xf32>
    %eq3A_484 = vector.broadcast %reduce_max3A_483 : f32 to vector<32x128xf32>
    %eq3A_485 = arith.cmpf oeq, %select_n3A_478, %eq3A_484 : vector<32x128xf32>
    %jit3A_486 = arith.constant 2147483647 : i32
    %broadcast_in_dim3A_487 = vector.broadcast %jit3A_486 : i32 to vector<32x128xi32>
    %select_n3A_488 = arith.select %eq3A_485, %get3A_4, %broadcast_in_dim3A_487 : vector<32x128xi1>, vector<32x128xi32>
    %reduce_min3A_489 = vector.shape_cast %select_n3A_488 : vector<32x128xi32> to vector<1x32x128xi32>
    %reduce_min3A_490 = arith.constant dense<2147483647> : vector<1xi32>
    %reduce_min3A_491 = vector.multi_reduction <minsi>, %reduce_min3A_489, %reduce_min3A_490 [1, 2] : vector<1x32x128xi32> to vector<1xi32>
    %reduce_min3A_492 = vector.shape_cast %reduce_min3A_491 : vector<1xi32> to vector<1x1x1xi32>
    %reduce_min3A_493 = vector.extract %reduce_min3A_492[0, 0, 0] : i32 from vector<1x1x1xi32>
    %eq3A_494 = arith.constant 17 : i32
    %eq3A_495 = vector.broadcast %eq3A_494 : i32 to vector<1x64xi32>
    %eq3A_496 = arith.cmpi eq, %iota3A, %eq3A_495 : vector<1x64xi32>
    %broadcast_in_dim3A_497 = vector.broadcast %reduce_max3A_483 : f32 to vector<1x64xf32>
    %select_n3A_498 = arith.select %eq3A_496, %broadcast_in_dim3A_497, %select_n3A_470 : vector<1x64xi1>, vector<1x64xf32>
    %eq3A_499 = arith.constant 17 : i32
    %eq3A_500 = vector.broadcast %eq3A_499 : i32 to vector<1x64xi32>
    %eq3A_501 = arith.cmpi eq, %iota3A, %eq3A_500 : vector<1x64xi32>
    %broadcast_in_dim3A_502 = vector.broadcast %reduce_min3A_493 : i32 to vector<1x64xi32>
    %select_n3A_503 = arith.select %eq3A_501, %broadcast_in_dim3A_502, %select_n3A_475 : vector<1x64xi1>, vector<1x64xi32>
    %jit3A_504 = arith.constant -3.000000e+38 : f32
    %broadcast_in_dim3A_505 = vector.broadcast %jit3A_504 : f32 to vector<32x128xf32>
    %select_n3A_506 = arith.select %eq3A_485, %broadcast_in_dim3A_505, %select_n3A_478 : vector<32x128xi1>, vector<32x128xf32>
    %reduce_max3A_507 = vector.shape_cast %select_n3A_506 : vector<32x128xf32> to vector<1x32x128xf32>
    %reduce_max3A_508 = arith.constant dense<0xFF800000> : vector<1xf32>
    %reduce_max3A_509 = vector.multi_reduction <maximumf>, %reduce_max3A_507, %reduce_max3A_508 [1, 2] : vector<1x32x128xf32> to vector<1xf32>
    %reduce_max3A_510 = vector.shape_cast %reduce_max3A_509 : vector<1xf32> to vector<1x1x1xf32>
    %reduce_max3A_511 = vector.extract %reduce_max3A_510[0, 0, 0] : f32 from vector<1x1x1xf32>
    %eq3A_512 = vector.broadcast %reduce_max3A_511 : f32 to vector<32x128xf32>
    %eq3A_513 = arith.cmpf oeq, %select_n3A_506, %eq3A_512 : vector<32x128xf32>
    %jit3A_514 = arith.constant 2147483647 : i32
    %broadcast_in_dim3A_515 = vector.broadcast %jit3A_514 : i32 to vector<32x128xi32>
    %select_n3A_516 = arith.select %eq3A_513, %get3A_4, %broadcast_in_dim3A_515 : vector<32x128xi1>, vector<32x128xi32>
    %reduce_min3A_517 = vector.shape_cast %select_n3A_516 : vector<32x128xi32> to vector<1x32x128xi32>
    %reduce_min3A_518 = arith.constant dense<2147483647> : vector<1xi32>
    %reduce_min3A_519 = vector.multi_reduction <minsi>, %reduce_min3A_517, %reduce_min3A_518 [1, 2] : vector<1x32x128xi32> to vector<1xi32>
    %reduce_min3A_520 = vector.shape_cast %reduce_min3A_519 : vector<1xi32> to vector<1x1x1xi32>
    %reduce_min3A_521 = vector.extract %reduce_min3A_520[0, 0, 0] : i32 from vector<1x1x1xi32>
    %eq3A_522 = arith.constant 18 : i32
    %eq3A_523 = vector.broadcast %eq3A_522 : i32 to vector<1x64xi32>
    %eq3A_524 = arith.cmpi eq, %iota3A, %eq3A_523 : vector<1x64xi32>
    %broadcast_in_dim3A_525 = vector.broadcast %reduce_max3A_511 : f32 to vector<1x64xf32>
    %select_n3A_526 = arith.select %eq3A_524, %broadcast_in_dim3A_525, %select_n3A_498 : vector<1x64xi1>, vector<1x64xf32>
    %eq3A_527 = arith.constant 18 : i32
    %eq3A_528 = vector.broadcast %eq3A_527 : i32 to vector<1x64xi32>
    %eq3A_529 = arith.cmpi eq, %iota3A, %eq3A_528 : vector<1x64xi32>
    %broadcast_in_dim3A_530 = vector.broadcast %reduce_min3A_521 : i32 to vector<1x64xi32>
    %select_n3A_531 = arith.select %eq3A_529, %broadcast_in_dim3A_530, %select_n3A_503 : vector<1x64xi1>, vector<1x64xi32>
    %jit3A_532 = arith.constant -3.000000e+38 : f32
    %broadcast_in_dim3A_533 = vector.broadcast %jit3A_532 : f32 to vector<32x128xf32>
    %select_n3A_534 = arith.select %eq3A_513, %broadcast_in_dim3A_533, %select_n3A_506 : vector<32x128xi1>, vector<32x128xf32>
    %reduce_max3A_535 = vector.shape_cast %select_n3A_534 : vector<32x128xf32> to vector<1x32x128xf32>
    %reduce_max3A_536 = arith.constant dense<0xFF800000> : vector<1xf32>
    %reduce_max3A_537 = vector.multi_reduction <maximumf>, %reduce_max3A_535, %reduce_max3A_536 [1, 2] : vector<1x32x128xf32> to vector<1xf32>
    %reduce_max3A_538 = vector.shape_cast %reduce_max3A_537 : vector<1xf32> to vector<1x1x1xf32>
    %reduce_max3A_539 = vector.extract %reduce_max3A_538[0, 0, 0] : f32 from vector<1x1x1xf32>
    %eq3A_540 = vector.broadcast %reduce_max3A_539 : f32 to vector<32x128xf32>
    %eq3A_541 = arith.cmpf oeq, %select_n3A_534, %eq3A_540 : vector<32x128xf32>
    %jit3A_542 = arith.constant 2147483647 : i32
    %broadcast_in_dim3A_543 = vector.broadcast %jit3A_542 : i32 to vector<32x128xi32>
    %select_n3A_544 = arith.select %eq3A_541, %get3A_4, %broadcast_in_dim3A_543 : vector<32x128xi1>, vector<32x128xi32>
    %reduce_min3A_545 = vector.shape_cast %select_n3A_544 : vector<32x128xi32> to vector<1x32x128xi32>
    %reduce_min3A_546 = arith.constant dense<2147483647> : vector<1xi32>
    %reduce_min3A_547 = vector.multi_reduction <minsi>, %reduce_min3A_545, %reduce_min3A_546 [1, 2] : vector<1x32x128xi32> to vector<1xi32>
    %reduce_min3A_548 = vector.shape_cast %reduce_min3A_547 : vector<1xi32> to vector<1x1x1xi32>
    %reduce_min3A_549 = vector.extract %reduce_min3A_548[0, 0, 0] : i32 from vector<1x1x1xi32>
    %eq3A_550 = arith.constant 19 : i32
    %eq3A_551 = vector.broadcast %eq3A_550 : i32 to vector<1x64xi32>
    %eq3A_552 = arith.cmpi eq, %iota3A, %eq3A_551 : vector<1x64xi32>
    %broadcast_in_dim3A_553 = vector.broadcast %reduce_max3A_539 : f32 to vector<1x64xf32>
    %select_n3A_554 = arith.select %eq3A_552, %broadcast_in_dim3A_553, %select_n3A_526 : vector<1x64xi1>, vector<1x64xf32>
    %eq3A_555 = arith.constant 19 : i32
    %eq3A_556 = vector.broadcast %eq3A_555 : i32 to vector<1x64xi32>
    %eq3A_557 = arith.cmpi eq, %iota3A, %eq3A_556 : vector<1x64xi32>
    %broadcast_in_dim3A_558 = vector.broadcast %reduce_min3A_549 : i32 to vector<1x64xi32>
    %select_n3A_559 = arith.select %eq3A_557, %broadcast_in_dim3A_558, %select_n3A_531 : vector<1x64xi1>, vector<1x64xi32>
    %jit3A_560 = arith.constant -3.000000e+38 : f32
    %broadcast_in_dim3A_561 = vector.broadcast %jit3A_560 : f32 to vector<32x128xf32>
    %select_n3A_562 = arith.select %eq3A_541, %broadcast_in_dim3A_561, %select_n3A_534 : vector<32x128xi1>, vector<32x128xf32>
    %reduce_max3A_563 = vector.shape_cast %select_n3A_562 : vector<32x128xf32> to vector<1x32x128xf32>
    %reduce_max3A_564 = arith.constant dense<0xFF800000> : vector<1xf32>
    %reduce_max3A_565 = vector.multi_reduction <maximumf>, %reduce_max3A_563, %reduce_max3A_564 [1, 2] : vector<1x32x128xf32> to vector<1xf32>
    %reduce_max3A_566 = vector.shape_cast %reduce_max3A_565 : vector<1xf32> to vector<1x1x1xf32>
    %reduce_max3A_567 = vector.extract %reduce_max3A_566[0, 0, 0] : f32 from vector<1x1x1xf32>
    %eq3A_568 = vector.broadcast %reduce_max3A_567 : f32 to vector<32x128xf32>
    %eq3A_569 = arith.cmpf oeq, %select_n3A_562, %eq3A_568 : vector<32x128xf32>
    %jit3A_570 = arith.constant 2147483647 : i32
    %broadcast_in_dim3A_571 = vector.broadcast %jit3A_570 : i32 to vector<32x128xi32>
    %select_n3A_572 = arith.select %eq3A_569, %get3A_4, %broadcast_in_dim3A_571 : vector<32x128xi1>, vector<32x128xi32>
    %reduce_min3A_573 = vector.shape_cast %select_n3A_572 : vector<32x128xi32> to vector<1x32x128xi32>
    %reduce_min3A_574 = arith.constant dense<2147483647> : vector<1xi32>
    %reduce_min3A_575 = vector.multi_reduction <minsi>, %reduce_min3A_573, %reduce_min3A_574 [1, 2] : vector<1x32x128xi32> to vector<1xi32>
    %reduce_min3A_576 = vector.shape_cast %reduce_min3A_575 : vector<1xi32> to vector<1x1x1xi32>
    %reduce_min3A_577 = vector.extract %reduce_min3A_576[0, 0, 0] : i32 from vector<1x1x1xi32>
    %eq3A_578 = arith.constant 20 : i32
    %eq3A_579 = vector.broadcast %eq3A_578 : i32 to vector<1x64xi32>
    %eq3A_580 = arith.cmpi eq, %iota3A, %eq3A_579 : vector<1x64xi32>
    %broadcast_in_dim3A_581 = vector.broadcast %reduce_max3A_567 : f32 to vector<1x64xf32>
    %select_n3A_582 = arith.select %eq3A_580, %broadcast_in_dim3A_581, %select_n3A_554 : vector<1x64xi1>, vector<1x64xf32>
    %eq3A_583 = arith.constant 20 : i32
    %eq3A_584 = vector.broadcast %eq3A_583 : i32 to vector<1x64xi32>
    %eq3A_585 = arith.cmpi eq, %iota3A, %eq3A_584 : vector<1x64xi32>
    %broadcast_in_dim3A_586 = vector.broadcast %reduce_min3A_577 : i32 to vector<1x64xi32>
    %select_n3A_587 = arith.select %eq3A_585, %broadcast_in_dim3A_586, %select_n3A_559 : vector<1x64xi1>, vector<1x64xi32>
    %jit3A_588 = arith.constant -3.000000e+38 : f32
    %broadcast_in_dim3A_589 = vector.broadcast %jit3A_588 : f32 to vector<32x128xf32>
    %select_n3A_590 = arith.select %eq3A_569, %broadcast_in_dim3A_589, %select_n3A_562 : vector<32x128xi1>, vector<32x128xf32>
    %reduce_max3A_591 = vector.shape_cast %select_n3A_590 : vector<32x128xf32> to vector<1x32x128xf32>
    %reduce_max3A_592 = arith.constant dense<0xFF800000> : vector<1xf32>
    %reduce_max3A_593 = vector.multi_reduction <maximumf>, %reduce_max3A_591, %reduce_max3A_592 [1, 2] : vector<1x32x128xf32> to vector<1xf32>
    %reduce_max3A_594 = vector.shape_cast %reduce_max3A_593 : vector<1xf32> to vector<1x1x1xf32>
    %reduce_max3A_595 = vector.extract %reduce_max3A_594[0, 0, 0] : f32 from vector<1x1x1xf32>
    %eq3A_596 = vector.broadcast %reduce_max3A_595 : f32 to vector<32x128xf32>
    %eq3A_597 = arith.cmpf oeq, %select_n3A_590, %eq3A_596 : vector<32x128xf32>
    %jit3A_598 = arith.constant 2147483647 : i32
    %broadcast_in_dim3A_599 = vector.broadcast %jit3A_598 : i32 to vector<32x128xi32>
    %select_n3A_600 = arith.select %eq3A_597, %get3A_4, %broadcast_in_dim3A_599 : vector<32x128xi1>, vector<32x128xi32>
    %reduce_min3A_601 = vector.shape_cast %select_n3A_600 : vector<32x128xi32> to vector<1x32x128xi32>
    %reduce_min3A_602 = arith.constant dense<2147483647> : vector<1xi32>
    %reduce_min3A_603 = vector.multi_reduction <minsi>, %reduce_min3A_601, %reduce_min3A_602 [1, 2] : vector<1x32x128xi32> to vector<1xi32>
    %reduce_min3A_604 = vector.shape_cast %reduce_min3A_603 : vector<1xi32> to vector<1x1x1xi32>
    %reduce_min3A_605 = vector.extract %reduce_min3A_604[0, 0, 0] : i32 from vector<1x1x1xi32>
    %eq3A_606 = arith.constant 21 : i32
    %eq3A_607 = vector.broadcast %eq3A_606 : i32 to vector<1x64xi32>
    %eq3A_608 = arith.cmpi eq, %iota3A, %eq3A_607 : vector<1x64xi32>
    %broadcast_in_dim3A_609 = vector.broadcast %reduce_max3A_595 : f32 to vector<1x64xf32>
    %select_n3A_610 = arith.select %eq3A_608, %broadcast_in_dim3A_609, %select_n3A_582 : vector<1x64xi1>, vector<1x64xf32>
    %eq3A_611 = arith.constant 21 : i32
    %eq3A_612 = vector.broadcast %eq3A_611 : i32 to vector<1x64xi32>
    %eq3A_613 = arith.cmpi eq, %iota3A, %eq3A_612 : vector<1x64xi32>
    %broadcast_in_dim3A_614 = vector.broadcast %reduce_min3A_605 : i32 to vector<1x64xi32>
    %select_n3A_615 = arith.select %eq3A_613, %broadcast_in_dim3A_614, %select_n3A_587 : vector<1x64xi1>, vector<1x64xi32>
    %jit3A_616 = arith.constant -3.000000e+38 : f32
    %broadcast_in_dim3A_617 = vector.broadcast %jit3A_616 : f32 to vector<32x128xf32>
    %select_n3A_618 = arith.select %eq3A_597, %broadcast_in_dim3A_617, %select_n3A_590 : vector<32x128xi1>, vector<32x128xf32>
    %reduce_max3A_619 = vector.shape_cast %select_n3A_618 : vector<32x128xf32> to vector<1x32x128xf32>
    %reduce_max3A_620 = arith.constant dense<0xFF800000> : vector<1xf32>
    %reduce_max3A_621 = vector.multi_reduction <maximumf>, %reduce_max3A_619, %reduce_max3A_620 [1, 2] : vector<1x32x128xf32> to vector<1xf32>
    %reduce_max3A_622 = vector.shape_cast %reduce_max3A_621 : vector<1xf32> to vector<1x1x1xf32>
    %reduce_max3A_623 = vector.extract %reduce_max3A_622[0, 0, 0] : f32 from vector<1x1x1xf32>
    %eq3A_624 = vector.broadcast %reduce_max3A_623 : f32 to vector<32x128xf32>
    %eq3A_625 = arith.cmpf oeq, %select_n3A_618, %eq3A_624 : vector<32x128xf32>
    %jit3A_626 = arith.constant 2147483647 : i32
    %broadcast_in_dim3A_627 = vector.broadcast %jit3A_626 : i32 to vector<32x128xi32>
    %select_n3A_628 = arith.select %eq3A_625, %get3A_4, %broadcast_in_dim3A_627 : vector<32x128xi1>, vector<32x128xi32>
    %reduce_min3A_629 = vector.shape_cast %select_n3A_628 : vector<32x128xi32> to vector<1x32x128xi32>
    %reduce_min3A_630 = arith.constant dense<2147483647> : vector<1xi32>
    %reduce_min3A_631 = vector.multi_reduction <minsi>, %reduce_min3A_629, %reduce_min3A_630 [1, 2] : vector<1x32x128xi32> to vector<1xi32>
    %reduce_min3A_632 = vector.shape_cast %reduce_min3A_631 : vector<1xi32> to vector<1x1x1xi32>
    %reduce_min3A_633 = vector.extract %reduce_min3A_632[0, 0, 0] : i32 from vector<1x1x1xi32>
    %eq3A_634 = arith.constant 22 : i32
    %eq3A_635 = vector.broadcast %eq3A_634 : i32 to vector<1x64xi32>
    %eq3A_636 = arith.cmpi eq, %iota3A, %eq3A_635 : vector<1x64xi32>
    %broadcast_in_dim3A_637 = vector.broadcast %reduce_max3A_623 : f32 to vector<1x64xf32>
    %select_n3A_638 = arith.select %eq3A_636, %broadcast_in_dim3A_637, %select_n3A_610 : vector<1x64xi1>, vector<1x64xf32>
    %eq3A_639 = arith.constant 22 : i32
    %eq3A_640 = vector.broadcast %eq3A_639 : i32 to vector<1x64xi32>
    %eq3A_641 = arith.cmpi eq, %iota3A, %eq3A_640 : vector<1x64xi32>
    %broadcast_in_dim3A_642 = vector.broadcast %reduce_min3A_633 : i32 to vector<1x64xi32>
    %select_n3A_643 = arith.select %eq3A_641, %broadcast_in_dim3A_642, %select_n3A_615 : vector<1x64xi1>, vector<1x64xi32>
    %jit3A_644 = arith.constant -3.000000e+38 : f32
    %broadcast_in_dim3A_645 = vector.broadcast %jit3A_644 : f32 to vector<32x128xf32>
    %select_n3A_646 = arith.select %eq3A_625, %broadcast_in_dim3A_645, %select_n3A_618 : vector<32x128xi1>, vector<32x128xf32>
    %reduce_max3A_647 = vector.shape_cast %select_n3A_646 : vector<32x128xf32> to vector<1x32x128xf32>
    %reduce_max3A_648 = arith.constant dense<0xFF800000> : vector<1xf32>
    %reduce_max3A_649 = vector.multi_reduction <maximumf>, %reduce_max3A_647, %reduce_max3A_648 [1, 2] : vector<1x32x128xf32> to vector<1xf32>
    %reduce_max3A_650 = vector.shape_cast %reduce_max3A_649 : vector<1xf32> to vector<1x1x1xf32>
    %reduce_max3A_651 = vector.extract %reduce_max3A_650[0, 0, 0] : f32 from vector<1x1x1xf32>
    %eq3A_652 = vector.broadcast %reduce_max3A_651 : f32 to vector<32x128xf32>
    %eq3A_653 = arith.cmpf oeq, %select_n3A_646, %eq3A_652 : vector<32x128xf32>
    %jit3A_654 = arith.constant 2147483647 : i32
    %broadcast_in_dim3A_655 = vector.broadcast %jit3A_654 : i32 to vector<32x128xi32>
    %select_n3A_656 = arith.select %eq3A_653, %get3A_4, %broadcast_in_dim3A_655 : vector<32x128xi1>, vector<32x128xi32>
    %reduce_min3A_657 = vector.shape_cast %select_n3A_656 : vector<32x128xi32> to vector<1x32x128xi32>
    %reduce_min3A_658 = arith.constant dense<2147483647> : vector<1xi32>
    %reduce_min3A_659 = vector.multi_reduction <minsi>, %reduce_min3A_657, %reduce_min3A_658 [1, 2] : vector<1x32x128xi32> to vector<1xi32>
    %reduce_min3A_660 = vector.shape_cast %reduce_min3A_659 : vector<1xi32> to vector<1x1x1xi32>
    %reduce_min3A_661 = vector.extract %reduce_min3A_660[0, 0, 0] : i32 from vector<1x1x1xi32>
    %eq3A_662 = arith.constant 23 : i32
    %eq3A_663 = vector.broadcast %eq3A_662 : i32 to vector<1x64xi32>
    %eq3A_664 = arith.cmpi eq, %iota3A, %eq3A_663 : vector<1x64xi32>
    %broadcast_in_dim3A_665 = vector.broadcast %reduce_max3A_651 : f32 to vector<1x64xf32>
    %select_n3A_666 = arith.select %eq3A_664, %broadcast_in_dim3A_665, %select_n3A_638 : vector<1x64xi1>, vector<1x64xf32>
    %eq3A_667 = arith.constant 23 : i32
    %eq3A_668 = vector.broadcast %eq3A_667 : i32 to vector<1x64xi32>
    %eq3A_669 = arith.cmpi eq, %iota3A, %eq3A_668 : vector<1x64xi32>
    %broadcast_in_dim3A_670 = vector.broadcast %reduce_min3A_661 : i32 to vector<1x64xi32>
    %select_n3A_671 = arith.select %eq3A_669, %broadcast_in_dim3A_670, %select_n3A_643 : vector<1x64xi1>, vector<1x64xi32>
    %jit3A_672 = arith.constant -3.000000e+38 : f32
    %broadcast_in_dim3A_673 = vector.broadcast %jit3A_672 : f32 to vector<32x128xf32>
    %select_n3A_674 = arith.select %eq3A_653, %broadcast_in_dim3A_673, %select_n3A_646 : vector<32x128xi1>, vector<32x128xf32>
    %reduce_max3A_675 = vector.shape_cast %select_n3A_674 : vector<32x128xf32> to vector<1x32x128xf32>
    %reduce_max3A_676 = arith.constant dense<0xFF800000> : vector<1xf32>
    %reduce_max3A_677 = vector.multi_reduction <maximumf>, %reduce_max3A_675, %reduce_max3A_676 [1, 2] : vector<1x32x128xf32> to vector<1xf32>
    %reduce_max3A_678 = vector.shape_cast %reduce_max3A_677 : vector<1xf32> to vector<1x1x1xf32>
    %reduce_max3A_679 = vector.extract %reduce_max3A_678[0, 0, 0] : f32 from vector<1x1x1xf32>
    %eq3A_680 = vector.broadcast %reduce_max3A_679 : f32 to vector<32x128xf32>
    %eq3A_681 = arith.cmpf oeq, %select_n3A_674, %eq3A_680 : vector<32x128xf32>
    %jit3A_682 = arith.constant 2147483647 : i32
    %broadcast_in_dim3A_683 = vector.broadcast %jit3A_682 : i32 to vector<32x128xi32>
    %select_n3A_684 = arith.select %eq3A_681, %get3A_4, %broadcast_in_dim3A_683 : vector<32x128xi1>, vector<32x128xi32>
    %reduce_min3A_685 = vector.shape_cast %select_n3A_684 : vector<32x128xi32> to vector<1x32x128xi32>
    %reduce_min3A_686 = arith.constant dense<2147483647> : vector<1xi32>
    %reduce_min3A_687 = vector.multi_reduction <minsi>, %reduce_min3A_685, %reduce_min3A_686 [1, 2] : vector<1x32x128xi32> to vector<1xi32>
    %reduce_min3A_688 = vector.shape_cast %reduce_min3A_687 : vector<1xi32> to vector<1x1x1xi32>
    %reduce_min3A_689 = vector.extract %reduce_min3A_688[0, 0, 0] : i32 from vector<1x1x1xi32>
    %eq3A_690 = arith.constant 24 : i32
    %eq3A_691 = vector.broadcast %eq3A_690 : i32 to vector<1x64xi32>
    %eq3A_692 = arith.cmpi eq, %iota3A, %eq3A_691 : vector<1x64xi32>
    %broadcast_in_dim3A_693 = vector.broadcast %reduce_max3A_679 : f32 to vector<1x64xf32>
    %select_n3A_694 = arith.select %eq3A_692, %broadcast_in_dim3A_693, %select_n3A_666 : vector<1x64xi1>, vector<1x64xf32>
    %eq3A_695 = arith.constant 24 : i32
    %eq3A_696 = vector.broadcast %eq3A_695 : i32 to vector<1x64xi32>
    %eq3A_697 = arith.cmpi eq, %iota3A, %eq3A_696 : vector<1x64xi32>
    %broadcast_in_dim3A_698 = vector.broadcast %reduce_min3A_689 : i32 to vector<1x64xi32>
    %select_n3A_699 = arith.select %eq3A_697, %broadcast_in_dim3A_698, %select_n3A_671 : vector<1x64xi1>, vector<1x64xi32>
    %jit3A_700 = arith.constant -3.000000e+38 : f32
    %broadcast_in_dim3A_701 = vector.broadcast %jit3A_700 : f32 to vector<32x128xf32>
    %select_n3A_702 = arith.select %eq3A_681, %broadcast_in_dim3A_701, %select_n3A_674 : vector<32x128xi1>, vector<32x128xf32>
    %reduce_max3A_703 = vector.shape_cast %select_n3A_702 : vector<32x128xf32> to vector<1x32x128xf32>
    %reduce_max3A_704 = arith.constant dense<0xFF800000> : vector<1xf32>
    %reduce_max3A_705 = vector.multi_reduction <maximumf>, %reduce_max3A_703, %reduce_max3A_704 [1, 2] : vector<1x32x128xf32> to vector<1xf32>
    %reduce_max3A_706 = vector.shape_cast %reduce_max3A_705 : vector<1xf32> to vector<1x1x1xf32>
    %reduce_max3A_707 = vector.extract %reduce_max3A_706[0, 0, 0] : f32 from vector<1x1x1xf32>
    %eq3A_708 = vector.broadcast %reduce_max3A_707 : f32 to vector<32x128xf32>
    %eq3A_709 = arith.cmpf oeq, %select_n3A_702, %eq3A_708 : vector<32x128xf32>
    %jit3A_710 = arith.constant 2147483647 : i32
    %broadcast_in_dim3A_711 = vector.broadcast %jit3A_710 : i32 to vector<32x128xi32>
    %select_n3A_712 = arith.select %eq3A_709, %get3A_4, %broadcast_in_dim3A_711 : vector<32x128xi1>, vector<32x128xi32>
    %reduce_min3A_713 = vector.shape_cast %select_n3A_712 : vector<32x128xi32> to vector<1x32x128xi32>
    %reduce_min3A_714 = arith.constant dense<2147483647> : vector<1xi32>
    %reduce_min3A_715 = vector.multi_reduction <minsi>, %reduce_min3A_713, %reduce_min3A_714 [1, 2] : vector<1x32x128xi32> to vector<1xi32>
    %reduce_min3A_716 = vector.shape_cast %reduce_min3A_715 : vector<1xi32> to vector<1x1x1xi32>
    %reduce_min3A_717 = vector.extract %reduce_min3A_716[0, 0, 0] : i32 from vector<1x1x1xi32>
    %eq3A_718 = arith.constant 25 : i32
    %eq3A_719 = vector.broadcast %eq3A_718 : i32 to vector<1x64xi32>
    %eq3A_720 = arith.cmpi eq, %iota3A, %eq3A_719 : vector<1x64xi32>
    %broadcast_in_dim3A_721 = vector.broadcast %reduce_max3A_707 : f32 to vector<1x64xf32>
    %select_n3A_722 = arith.select %eq3A_720, %broadcast_in_dim3A_721, %select_n3A_694 : vector<1x64xi1>, vector<1x64xf32>
    %eq3A_723 = arith.constant 25 : i32
    %eq3A_724 = vector.broadcast %eq3A_723 : i32 to vector<1x64xi32>
    %eq3A_725 = arith.cmpi eq, %iota3A, %eq3A_724 : vector<1x64xi32>
    %broadcast_in_dim3A_726 = vector.broadcast %reduce_min3A_717 : i32 to vector<1x64xi32>
    %select_n3A_727 = arith.select %eq3A_725, %broadcast_in_dim3A_726, %select_n3A_699 : vector<1x64xi1>, vector<1x64xi32>
    %jit3A_728 = arith.constant -3.000000e+38 : f32
    %broadcast_in_dim3A_729 = vector.broadcast %jit3A_728 : f32 to vector<32x128xf32>
    %select_n3A_730 = arith.select %eq3A_709, %broadcast_in_dim3A_729, %select_n3A_702 : vector<32x128xi1>, vector<32x128xf32>
    %reduce_max3A_731 = vector.shape_cast %select_n3A_730 : vector<32x128xf32> to vector<1x32x128xf32>
    %reduce_max3A_732 = arith.constant dense<0xFF800000> : vector<1xf32>
    %reduce_max3A_733 = vector.multi_reduction <maximumf>, %reduce_max3A_731, %reduce_max3A_732 [1, 2] : vector<1x32x128xf32> to vector<1xf32>
    %reduce_max3A_734 = vector.shape_cast %reduce_max3A_733 : vector<1xf32> to vector<1x1x1xf32>
    %reduce_max3A_735 = vector.extract %reduce_max3A_734[0, 0, 0] : f32 from vector<1x1x1xf32>
    %eq3A_736 = vector.broadcast %reduce_max3A_735 : f32 to vector<32x128xf32>
    %eq3A_737 = arith.cmpf oeq, %select_n3A_730, %eq3A_736 : vector<32x128xf32>
    %jit3A_738 = arith.constant 2147483647 : i32
    %broadcast_in_dim3A_739 = vector.broadcast %jit3A_738 : i32 to vector<32x128xi32>
    %select_n3A_740 = arith.select %eq3A_737, %get3A_4, %broadcast_in_dim3A_739 : vector<32x128xi1>, vector<32x128xi32>
    %reduce_min3A_741 = vector.shape_cast %select_n3A_740 : vector<32x128xi32> to vector<1x32x128xi32>
    %reduce_min3A_742 = arith.constant dense<2147483647> : vector<1xi32>
    %reduce_min3A_743 = vector.multi_reduction <minsi>, %reduce_min3A_741, %reduce_min3A_742 [1, 2] : vector<1x32x128xi32> to vector<1xi32>
    %reduce_min3A_744 = vector.shape_cast %reduce_min3A_743 : vector<1xi32> to vector<1x1x1xi32>
    %reduce_min3A_745 = vector.extract %reduce_min3A_744[0, 0, 0] : i32 from vector<1x1x1xi32>
    %eq3A_746 = arith.constant 26 : i32
    %eq3A_747 = vector.broadcast %eq3A_746 : i32 to vector<1x64xi32>
    %eq3A_748 = arith.cmpi eq, %iota3A, %eq3A_747 : vector<1x64xi32>
    %broadcast_in_dim3A_749 = vector.broadcast %reduce_max3A_735 : f32 to vector<1x64xf32>
    %select_n3A_750 = arith.select %eq3A_748, %broadcast_in_dim3A_749, %select_n3A_722 : vector<1x64xi1>, vector<1x64xf32>
    %eq3A_751 = arith.constant 26 : i32
    %eq3A_752 = vector.broadcast %eq3A_751 : i32 to vector<1x64xi32>
    %eq3A_753 = arith.cmpi eq, %iota3A, %eq3A_752 : vector<1x64xi32>
    %broadcast_in_dim3A_754 = vector.broadcast %reduce_min3A_745 : i32 to vector<1x64xi32>
    %select_n3A_755 = arith.select %eq3A_753, %broadcast_in_dim3A_754, %select_n3A_727 : vector<1x64xi1>, vector<1x64xi32>
    %jit3A_756 = arith.constant -3.000000e+38 : f32
    %broadcast_in_dim3A_757 = vector.broadcast %jit3A_756 : f32 to vector<32x128xf32>
    %select_n3A_758 = arith.select %eq3A_737, %broadcast_in_dim3A_757, %select_n3A_730 : vector<32x128xi1>, vector<32x128xf32>
    %reduce_max3A_759 = vector.shape_cast %select_n3A_758 : vector<32x128xf32> to vector<1x32x128xf32>
    %reduce_max3A_760 = arith.constant dense<0xFF800000> : vector<1xf32>
    %reduce_max3A_761 = vector.multi_reduction <maximumf>, %reduce_max3A_759, %reduce_max3A_760 [1, 2] : vector<1x32x128xf32> to vector<1xf32>
    %reduce_max3A_762 = vector.shape_cast %reduce_max3A_761 : vector<1xf32> to vector<1x1x1xf32>
    %reduce_max3A_763 = vector.extract %reduce_max3A_762[0, 0, 0] : f32 from vector<1x1x1xf32>
    %eq3A_764 = vector.broadcast %reduce_max3A_763 : f32 to vector<32x128xf32>
    %eq3A_765 = arith.cmpf oeq, %select_n3A_758, %eq3A_764 : vector<32x128xf32>
    %jit3A_766 = arith.constant 2147483647 : i32
    %broadcast_in_dim3A_767 = vector.broadcast %jit3A_766 : i32 to vector<32x128xi32>
    %select_n3A_768 = arith.select %eq3A_765, %get3A_4, %broadcast_in_dim3A_767 : vector<32x128xi1>, vector<32x128xi32>
    %reduce_min3A_769 = vector.shape_cast %select_n3A_768 : vector<32x128xi32> to vector<1x32x128xi32>
    %reduce_min3A_770 = arith.constant dense<2147483647> : vector<1xi32>
    %reduce_min3A_771 = vector.multi_reduction <minsi>, %reduce_min3A_769, %reduce_min3A_770 [1, 2] : vector<1x32x128xi32> to vector<1xi32>
    %reduce_min3A_772 = vector.shape_cast %reduce_min3A_771 : vector<1xi32> to vector<1x1x1xi32>
    %reduce_min3A_773 = vector.extract %reduce_min3A_772[0, 0, 0] : i32 from vector<1x1x1xi32>
    %eq3A_774 = arith.constant 27 : i32
    %eq3A_775 = vector.broadcast %eq3A_774 : i32 to vector<1x64xi32>
    %eq3A_776 = arith.cmpi eq, %iota3A, %eq3A_775 : vector<1x64xi32>
    %broadcast_in_dim3A_777 = vector.broadcast %reduce_max3A_763 : f32 to vector<1x64xf32>
    %select_n3A_778 = arith.select %eq3A_776, %broadcast_in_dim3A_777, %select_n3A_750 : vector<1x64xi1>, vector<1x64xf32>
    %eq3A_779 = arith.constant 27 : i32
    %eq3A_780 = vector.broadcast %eq3A_779 : i32 to vector<1x64xi32>
    %eq3A_781 = arith.cmpi eq, %iota3A, %eq3A_780 : vector<1x64xi32>
    %broadcast_in_dim3A_782 = vector.broadcast %reduce_min3A_773 : i32 to vector<1x64xi32>
    %select_n3A_783 = arith.select %eq3A_781, %broadcast_in_dim3A_782, %select_n3A_755 : vector<1x64xi1>, vector<1x64xi32>
    %jit3A_784 = arith.constant -3.000000e+38 : f32
    %broadcast_in_dim3A_785 = vector.broadcast %jit3A_784 : f32 to vector<32x128xf32>
    %select_n3A_786 = arith.select %eq3A_765, %broadcast_in_dim3A_785, %select_n3A_758 : vector<32x128xi1>, vector<32x128xf32>
    %reduce_max3A_787 = vector.shape_cast %select_n3A_786 : vector<32x128xf32> to vector<1x32x128xf32>
    %reduce_max3A_788 = arith.constant dense<0xFF800000> : vector<1xf32>
    %reduce_max3A_789 = vector.multi_reduction <maximumf>, %reduce_max3A_787, %reduce_max3A_788 [1, 2] : vector<1x32x128xf32> to vector<1xf32>
    %reduce_max3A_790 = vector.shape_cast %reduce_max3A_789 : vector<1xf32> to vector<1x1x1xf32>
    %reduce_max3A_791 = vector.extract %reduce_max3A_790[0, 0, 0] : f32 from vector<1x1x1xf32>
    %eq3A_792 = vector.broadcast %reduce_max3A_791 : f32 to vector<32x128xf32>
    %eq3A_793 = arith.cmpf oeq, %select_n3A_786, %eq3A_792 : vector<32x128xf32>
    %jit3A_794 = arith.constant 2147483647 : i32
    %broadcast_in_dim3A_795 = vector.broadcast %jit3A_794 : i32 to vector<32x128xi32>
    %select_n3A_796 = arith.select %eq3A_793, %get3A_4, %broadcast_in_dim3A_795 : vector<32x128xi1>, vector<32x128xi32>
    %reduce_min3A_797 = vector.shape_cast %select_n3A_796 : vector<32x128xi32> to vector<1x32x128xi32>
    %reduce_min3A_798 = arith.constant dense<2147483647> : vector<1xi32>
    %reduce_min3A_799 = vector.multi_reduction <minsi>, %reduce_min3A_797, %reduce_min3A_798 [1, 2] : vector<1x32x128xi32> to vector<1xi32>
    %reduce_min3A_800 = vector.shape_cast %reduce_min3A_799 : vector<1xi32> to vector<1x1x1xi32>
    %reduce_min3A_801 = vector.extract %reduce_min3A_800[0, 0, 0] : i32 from vector<1x1x1xi32>
    %eq3A_802 = arith.constant 28 : i32
    %eq3A_803 = vector.broadcast %eq3A_802 : i32 to vector<1x64xi32>
    %eq3A_804 = arith.cmpi eq, %iota3A, %eq3A_803 : vector<1x64xi32>
    %broadcast_in_dim3A_805 = vector.broadcast %reduce_max3A_791 : f32 to vector<1x64xf32>
    %select_n3A_806 = arith.select %eq3A_804, %broadcast_in_dim3A_805, %select_n3A_778 : vector<1x64xi1>, vector<1x64xf32>
    %eq3A_807 = arith.constant 28 : i32
    %eq3A_808 = vector.broadcast %eq3A_807 : i32 to vector<1x64xi32>
    %eq3A_809 = arith.cmpi eq, %iota3A, %eq3A_808 : vector<1x64xi32>
    %broadcast_in_dim3A_810 = vector.broadcast %reduce_min3A_801 : i32 to vector<1x64xi32>
    %select_n3A_811 = arith.select %eq3A_809, %broadcast_in_dim3A_810, %select_n3A_783 : vector<1x64xi1>, vector<1x64xi32>
    %jit3A_812 = arith.constant -3.000000e+38 : f32
    %broadcast_in_dim3A_813 = vector.broadcast %jit3A_812 : f32 to vector<32x128xf32>
    %select_n3A_814 = arith.select %eq3A_793, %broadcast_in_dim3A_813, %select_n3A_786 : vector<32x128xi1>, vector<32x128xf32>
    %reduce_max3A_815 = vector.shape_cast %select_n3A_814 : vector<32x128xf32> to vector<1x32x128xf32>
    %reduce_max3A_816 = arith.constant dense<0xFF800000> : vector<1xf32>
    %reduce_max3A_817 = vector.multi_reduction <maximumf>, %reduce_max3A_815, %reduce_max3A_816 [1, 2] : vector<1x32x128xf32> to vector<1xf32>
    %reduce_max3A_818 = vector.shape_cast %reduce_max3A_817 : vector<1xf32> to vector<1x1x1xf32>
    %reduce_max3A_819 = vector.extract %reduce_max3A_818[0, 0, 0] : f32 from vector<1x1x1xf32>
    %eq3A_820 = vector.broadcast %reduce_max3A_819 : f32 to vector<32x128xf32>
    %eq3A_821 = arith.cmpf oeq, %select_n3A_814, %eq3A_820 : vector<32x128xf32>
    %jit3A_822 = arith.constant 2147483647 : i32
    %broadcast_in_dim3A_823 = vector.broadcast %jit3A_822 : i32 to vector<32x128xi32>
    %select_n3A_824 = arith.select %eq3A_821, %get3A_4, %broadcast_in_dim3A_823 : vector<32x128xi1>, vector<32x128xi32>
    %reduce_min3A_825 = vector.shape_cast %select_n3A_824 : vector<32x128xi32> to vector<1x32x128xi32>
    %reduce_min3A_826 = arith.constant dense<2147483647> : vector<1xi32>
    %reduce_min3A_827 = vector.multi_reduction <minsi>, %reduce_min3A_825, %reduce_min3A_826 [1, 2] : vector<1x32x128xi32> to vector<1xi32>
    %reduce_min3A_828 = vector.shape_cast %reduce_min3A_827 : vector<1xi32> to vector<1x1x1xi32>
    %reduce_min3A_829 = vector.extract %reduce_min3A_828[0, 0, 0] : i32 from vector<1x1x1xi32>
    %eq3A_830 = arith.constant 29 : i32
    %eq3A_831 = vector.broadcast %eq3A_830 : i32 to vector<1x64xi32>
    %eq3A_832 = arith.cmpi eq, %iota3A, %eq3A_831 : vector<1x64xi32>
    %broadcast_in_dim3A_833 = vector.broadcast %reduce_max3A_819 : f32 to vector<1x64xf32>
    %select_n3A_834 = arith.select %eq3A_832, %broadcast_in_dim3A_833, %select_n3A_806 : vector<1x64xi1>, vector<1x64xf32>
    %eq3A_835 = arith.constant 29 : i32
    %eq3A_836 = vector.broadcast %eq3A_835 : i32 to vector<1x64xi32>
    %eq3A_837 = arith.cmpi eq, %iota3A, %eq3A_836 : vector<1x64xi32>
    %broadcast_in_dim3A_838 = vector.broadcast %reduce_min3A_829 : i32 to vector<1x64xi32>
    %select_n3A_839 = arith.select %eq3A_837, %broadcast_in_dim3A_838, %select_n3A_811 : vector<1x64xi1>, vector<1x64xi32>
    %jit3A_840 = arith.constant -3.000000e+38 : f32
    %broadcast_in_dim3A_841 = vector.broadcast %jit3A_840 : f32 to vector<32x128xf32>
    %select_n3A_842 = arith.select %eq3A_821, %broadcast_in_dim3A_841, %select_n3A_814 : vector<32x128xi1>, vector<32x128xf32>
    %reduce_max3A_843 = vector.shape_cast %select_n3A_842 : vector<32x128xf32> to vector<1x32x128xf32>
    %reduce_max3A_844 = arith.constant dense<0xFF800000> : vector<1xf32>
    %reduce_max3A_845 = vector.multi_reduction <maximumf>, %reduce_max3A_843, %reduce_max3A_844 [1, 2] : vector<1x32x128xf32> to vector<1xf32>
    %reduce_max3A_846 = vector.shape_cast %reduce_max3A_845 : vector<1xf32> to vector<1x1x1xf32>
    %reduce_max3A_847 = vector.extract %reduce_max3A_846[0, 0, 0] : f32 from vector<1x1x1xf32>
    %eq3A_848 = vector.broadcast %reduce_max3A_847 : f32 to vector<32x128xf32>
    %eq3A_849 = arith.cmpf oeq, %select_n3A_842, %eq3A_848 : vector<32x128xf32>
    %jit3A_850 = arith.constant 2147483647 : i32
    %broadcast_in_dim3A_851 = vector.broadcast %jit3A_850 : i32 to vector<32x128xi32>
    %select_n3A_852 = arith.select %eq3A_849, %get3A_4, %broadcast_in_dim3A_851 : vector<32x128xi1>, vector<32x128xi32>
    %reduce_min3A_853 = vector.shape_cast %select_n3A_852 : vector<32x128xi32> to vector<1x32x128xi32>
    %reduce_min3A_854 = arith.constant dense<2147483647> : vector<1xi32>
    %reduce_min3A_855 = vector.multi_reduction <minsi>, %reduce_min3A_853, %reduce_min3A_854 [1, 2] : vector<1x32x128xi32> to vector<1xi32>
    %reduce_min3A_856 = vector.shape_cast %reduce_min3A_855 : vector<1xi32> to vector<1x1x1xi32>
    %reduce_min3A_857 = vector.extract %reduce_min3A_856[0, 0, 0] : i32 from vector<1x1x1xi32>
    %eq3A_858 = arith.constant 30 : i32
    %eq3A_859 = vector.broadcast %eq3A_858 : i32 to vector<1x64xi32>
    %eq3A_860 = arith.cmpi eq, %iota3A, %eq3A_859 : vector<1x64xi32>
    %broadcast_in_dim3A_861 = vector.broadcast %reduce_max3A_847 : f32 to vector<1x64xf32>
    %select_n3A_862 = arith.select %eq3A_860, %broadcast_in_dim3A_861, %select_n3A_834 : vector<1x64xi1>, vector<1x64xf32>
    %eq3A_863 = arith.constant 30 : i32
    %eq3A_864 = vector.broadcast %eq3A_863 : i32 to vector<1x64xi32>
    %eq3A_865 = arith.cmpi eq, %iota3A, %eq3A_864 : vector<1x64xi32>
    %broadcast_in_dim3A_866 = vector.broadcast %reduce_min3A_857 : i32 to vector<1x64xi32>
    %select_n3A_867 = arith.select %eq3A_865, %broadcast_in_dim3A_866, %select_n3A_839 : vector<1x64xi1>, vector<1x64xi32>
    %jit3A_868 = arith.constant -3.000000e+38 : f32
    %broadcast_in_dim3A_869 = vector.broadcast %jit3A_868 : f32 to vector<32x128xf32>
    %select_n3A_870 = arith.select %eq3A_849, %broadcast_in_dim3A_869, %select_n3A_842 : vector<32x128xi1>, vector<32x128xf32>
    %reduce_max3A_871 = vector.shape_cast %select_n3A_870 : vector<32x128xf32> to vector<1x32x128xf32>
    %reduce_max3A_872 = arith.constant dense<0xFF800000> : vector<1xf32>
    %reduce_max3A_873 = vector.multi_reduction <maximumf>, %reduce_max3A_871, %reduce_max3A_872 [1, 2] : vector<1x32x128xf32> to vector<1xf32>
    %reduce_max3A_874 = vector.shape_cast %reduce_max3A_873 : vector<1xf32> to vector<1x1x1xf32>
    %reduce_max3A_875 = vector.extract %reduce_max3A_874[0, 0, 0] : f32 from vector<1x1x1xf32>
    %eq3A_876 = vector.broadcast %reduce_max3A_875 : f32 to vector<32x128xf32>
    %eq3A_877 = arith.cmpf oeq, %select_n3A_870, %eq3A_876 : vector<32x128xf32>
    %jit3A_878 = arith.constant 2147483647 : i32
    %broadcast_in_dim3A_879 = vector.broadcast %jit3A_878 : i32 to vector<32x128xi32>
    %select_n3A_880 = arith.select %eq3A_877, %get3A_4, %broadcast_in_dim3A_879 : vector<32x128xi1>, vector<32x128xi32>
    %reduce_min3A_881 = vector.shape_cast %select_n3A_880 : vector<32x128xi32> to vector<1x32x128xi32>
    %reduce_min3A_882 = arith.constant dense<2147483647> : vector<1xi32>
    %reduce_min3A_883 = vector.multi_reduction <minsi>, %reduce_min3A_881, %reduce_min3A_882 [1, 2] : vector<1x32x128xi32> to vector<1xi32>
    %reduce_min3A_884 = vector.shape_cast %reduce_min3A_883 : vector<1xi32> to vector<1x1x1xi32>
    %reduce_min3A_885 = vector.extract %reduce_min3A_884[0, 0, 0] : i32 from vector<1x1x1xi32>
    %eq3A_886 = arith.constant 31 : i32
    %eq3A_887 = vector.broadcast %eq3A_886 : i32 to vector<1x64xi32>
    %eq3A_888 = arith.cmpi eq, %iota3A, %eq3A_887 : vector<1x64xi32>
    %broadcast_in_dim3A_889 = vector.broadcast %reduce_max3A_875 : f32 to vector<1x64xf32>
    %select_n3A_890 = arith.select %eq3A_888, %broadcast_in_dim3A_889, %select_n3A_862 : vector<1x64xi1>, vector<1x64xf32>
    %eq3A_891 = arith.constant 31 : i32
    %eq3A_892 = vector.broadcast %eq3A_891 : i32 to vector<1x64xi32>
    %eq3A_893 = arith.cmpi eq, %iota3A, %eq3A_892 : vector<1x64xi32>
    %broadcast_in_dim3A_894 = vector.broadcast %reduce_min3A_885 : i32 to vector<1x64xi32>
    %select_n3A_895 = arith.select %eq3A_893, %broadcast_in_dim3A_894, %select_n3A_867 : vector<1x64xi1>, vector<1x64xi32>
    %jit3A_896 = arith.constant -3.000000e+38 : f32
    %broadcast_in_dim3A_897 = vector.broadcast %jit3A_896 : f32 to vector<32x128xf32>
    %select_n3A_898 = arith.select %eq3A_877, %broadcast_in_dim3A_897, %select_n3A_870 : vector<32x128xi1>, vector<32x128xf32>
    %reduce_max3A_899 = vector.shape_cast %select_n3A_898 : vector<32x128xf32> to vector<1x32x128xf32>
    %reduce_max3A_900 = arith.constant dense<0xFF800000> : vector<1xf32>
    %reduce_max3A_901 = vector.multi_reduction <maximumf>, %reduce_max3A_899, %reduce_max3A_900 [1, 2] : vector<1x32x128xf32> to vector<1xf32>
    %reduce_max3A_902 = vector.shape_cast %reduce_max3A_901 : vector<1xf32> to vector<1x1x1xf32>
    %reduce_max3A_903 = vector.extract %reduce_max3A_902[0, 0, 0] : f32 from vector<1x1x1xf32>
    %eq3A_904 = vector.broadcast %reduce_max3A_903 : f32 to vector<32x128xf32>
    %eq3A_905 = arith.cmpf oeq, %select_n3A_898, %eq3A_904 : vector<32x128xf32>
    %jit3A_906 = arith.constant 2147483647 : i32
    %broadcast_in_dim3A_907 = vector.broadcast %jit3A_906 : i32 to vector<32x128xi32>
    %select_n3A_908 = arith.select %eq3A_905, %get3A_4, %broadcast_in_dim3A_907 : vector<32x128xi1>, vector<32x128xi32>
    %reduce_min3A_909 = vector.shape_cast %select_n3A_908 : vector<32x128xi32> to vector<1x32x128xi32>
    %reduce_min3A_910 = arith.constant dense<2147483647> : vector<1xi32>
    %reduce_min3A_911 = vector.multi_reduction <minsi>, %reduce_min3A_909, %reduce_min3A_910 [1, 2] : vector<1x32x128xi32> to vector<1xi32>
    %reduce_min3A_912 = vector.shape_cast %reduce_min3A_911 : vector<1xi32> to vector<1x1x1xi32>
    %reduce_min3A_913 = vector.extract %reduce_min3A_912[0, 0, 0] : i32 from vector<1x1x1xi32>
    %eq3A_914 = arith.constant 32 : i32
    %eq3A_915 = vector.broadcast %eq3A_914 : i32 to vector<1x64xi32>
    %eq3A_916 = arith.cmpi eq, %iota3A, %eq3A_915 : vector<1x64xi32>
    %broadcast_in_dim3A_917 = vector.broadcast %reduce_max3A_903 : f32 to vector<1x64xf32>
    %select_n3A_918 = arith.select %eq3A_916, %broadcast_in_dim3A_917, %select_n3A_890 : vector<1x64xi1>, vector<1x64xf32>
    %eq3A_919 = arith.constant 32 : i32
    %eq3A_920 = vector.broadcast %eq3A_919 : i32 to vector<1x64xi32>
    %eq3A_921 = arith.cmpi eq, %iota3A, %eq3A_920 : vector<1x64xi32>
    %broadcast_in_dim3A_922 = vector.broadcast %reduce_min3A_913 : i32 to vector<1x64xi32>
    %select_n3A_923 = arith.select %eq3A_921, %broadcast_in_dim3A_922, %select_n3A_895 : vector<1x64xi1>, vector<1x64xi32>
    %jit3A_924 = arith.constant -3.000000e+38 : f32
    %broadcast_in_dim3A_925 = vector.broadcast %jit3A_924 : f32 to vector<32x128xf32>
    %select_n3A_926 = arith.select %eq3A_905, %broadcast_in_dim3A_925, %select_n3A_898 : vector<32x128xi1>, vector<32x128xf32>
    %reduce_max3A_927 = vector.shape_cast %select_n3A_926 : vector<32x128xf32> to vector<1x32x128xf32>
    %reduce_max3A_928 = arith.constant dense<0xFF800000> : vector<1xf32>
    %reduce_max3A_929 = vector.multi_reduction <maximumf>, %reduce_max3A_927, %reduce_max3A_928 [1, 2] : vector<1x32x128xf32> to vector<1xf32>
    %reduce_max3A_930 = vector.shape_cast %reduce_max3A_929 : vector<1xf32> to vector<1x1x1xf32>
    %reduce_max3A_931 = vector.extract %reduce_max3A_930[0, 0, 0] : f32 from vector<1x1x1xf32>
    %eq3A_932 = vector.broadcast %reduce_max3A_931 : f32 to vector<32x128xf32>
    %eq3A_933 = arith.cmpf oeq, %select_n3A_926, %eq3A_932 : vector<32x128xf32>
    %jit3A_934 = arith.constant 2147483647 : i32
    %broadcast_in_dim3A_935 = vector.broadcast %jit3A_934 : i32 to vector<32x128xi32>
    %select_n3A_936 = arith.select %eq3A_933, %get3A_4, %broadcast_in_dim3A_935 : vector<32x128xi1>, vector<32x128xi32>
    %reduce_min3A_937 = vector.shape_cast %select_n3A_936 : vector<32x128xi32> to vector<1x32x128xi32>
    %reduce_min3A_938 = arith.constant dense<2147483647> : vector<1xi32>
    %reduce_min3A_939 = vector.multi_reduction <minsi>, %reduce_min3A_937, %reduce_min3A_938 [1, 2] : vector<1x32x128xi32> to vector<1xi32>
    %reduce_min3A_940 = vector.shape_cast %reduce_min3A_939 : vector<1xi32> to vector<1x1x1xi32>
    %reduce_min3A_941 = vector.extract %reduce_min3A_940[0, 0, 0] : i32 from vector<1x1x1xi32>
    %eq3A_942 = arith.constant 33 : i32
    %eq3A_943 = vector.broadcast %eq3A_942 : i32 to vector<1x64xi32>
    %eq3A_944 = arith.cmpi eq, %iota3A, %eq3A_943 : vector<1x64xi32>
    %broadcast_in_dim3A_945 = vector.broadcast %reduce_max3A_931 : f32 to vector<1x64xf32>
    %select_n3A_946 = arith.select %eq3A_944, %broadcast_in_dim3A_945, %select_n3A_918 : vector<1x64xi1>, vector<1x64xf32>
    %eq3A_947 = arith.constant 33 : i32
    %eq3A_948 = vector.broadcast %eq3A_947 : i32 to vector<1x64xi32>
    %eq3A_949 = arith.cmpi eq, %iota3A, %eq3A_948 : vector<1x64xi32>
    %broadcast_in_dim3A_950 = vector.broadcast %reduce_min3A_941 : i32 to vector<1x64xi32>
    %select_n3A_951 = arith.select %eq3A_949, %broadcast_in_dim3A_950, %select_n3A_923 : vector<1x64xi1>, vector<1x64xi32>
    %jit3A_952 = arith.constant -3.000000e+38 : f32
    %broadcast_in_dim3A_953 = vector.broadcast %jit3A_952 : f32 to vector<32x128xf32>
    %select_n3A_954 = arith.select %eq3A_933, %broadcast_in_dim3A_953, %select_n3A_926 : vector<32x128xi1>, vector<32x128xf32>
    %reduce_max3A_955 = vector.shape_cast %select_n3A_954 : vector<32x128xf32> to vector<1x32x128xf32>
    %reduce_max3A_956 = arith.constant dense<0xFF800000> : vector<1xf32>
    %reduce_max3A_957 = vector.multi_reduction <maximumf>, %reduce_max3A_955, %reduce_max3A_956 [1, 2] : vector<1x32x128xf32> to vector<1xf32>
    %reduce_max3A_958 = vector.shape_cast %reduce_max3A_957 : vector<1xf32> to vector<1x1x1xf32>
    %reduce_max3A_959 = vector.extract %reduce_max3A_958[0, 0, 0] : f32 from vector<1x1x1xf32>
    %eq3A_960 = vector.broadcast %reduce_max3A_959 : f32 to vector<32x128xf32>
    %eq3A_961 = arith.cmpf oeq, %select_n3A_954, %eq3A_960 : vector<32x128xf32>
    %jit3A_962 = arith.constant 2147483647 : i32
    %broadcast_in_dim3A_963 = vector.broadcast %jit3A_962 : i32 to vector<32x128xi32>
    %select_n3A_964 = arith.select %eq3A_961, %get3A_4, %broadcast_in_dim3A_963 : vector<32x128xi1>, vector<32x128xi32>
    %reduce_min3A_965 = vector.shape_cast %select_n3A_964 : vector<32x128xi32> to vector<1x32x128xi32>
    %reduce_min3A_966 = arith.constant dense<2147483647> : vector<1xi32>
    %reduce_min3A_967 = vector.multi_reduction <minsi>, %reduce_min3A_965, %reduce_min3A_966 [1, 2] : vector<1x32x128xi32> to vector<1xi32>
    %reduce_min3A_968 = vector.shape_cast %reduce_min3A_967 : vector<1xi32> to vector<1x1x1xi32>
    %reduce_min3A_969 = vector.extract %reduce_min3A_968[0, 0, 0] : i32 from vector<1x1x1xi32>
    %eq3A_970 = arith.constant 34 : i32
    %eq3A_971 = vector.broadcast %eq3A_970 : i32 to vector<1x64xi32>
    %eq3A_972 = arith.cmpi eq, %iota3A, %eq3A_971 : vector<1x64xi32>
    %broadcast_in_dim3A_973 = vector.broadcast %reduce_max3A_959 : f32 to vector<1x64xf32>
    %select_n3A_974 = arith.select %eq3A_972, %broadcast_in_dim3A_973, %select_n3A_946 : vector<1x64xi1>, vector<1x64xf32>
    %eq3A_975 = arith.constant 34 : i32
    %eq3A_976 = vector.broadcast %eq3A_975 : i32 to vector<1x64xi32>
    %eq3A_977 = arith.cmpi eq, %iota3A, %eq3A_976 : vector<1x64xi32>
    %broadcast_in_dim3A_978 = vector.broadcast %reduce_min3A_969 : i32 to vector<1x64xi32>
    %select_n3A_979 = arith.select %eq3A_977, %broadcast_in_dim3A_978, %select_n3A_951 : vector<1x64xi1>, vector<1x64xi32>
    %jit3A_980 = arith.constant -3.000000e+38 : f32
    %broadcast_in_dim3A_981 = vector.broadcast %jit3A_980 : f32 to vector<32x128xf32>
    %select_n3A_982 = arith.select %eq3A_961, %broadcast_in_dim3A_981, %select_n3A_954 : vector<32x128xi1>, vector<32x128xf32>
    %reduce_max3A_983 = vector.shape_cast %select_n3A_982 : vector<32x128xf32> to vector<1x32x128xf32>
    %reduce_max3A_984 = arith.constant dense<0xFF800000> : vector<1xf32>
    %reduce_max3A_985 = vector.multi_reduction <maximumf>, %reduce_max3A_983, %reduce_max3A_984 [1, 2] : vector<1x32x128xf32> to vector<1xf32>
    %reduce_max3A_986 = vector.shape_cast %reduce_max3A_985 : vector<1xf32> to vector<1x1x1xf32>
    %reduce_max3A_987 = vector.extract %reduce_max3A_986[0, 0, 0] : f32 from vector<1x1x1xf32>
    %eq3A_988 = vector.broadcast %reduce_max3A_987 : f32 to vector<32x128xf32>
    %eq3A_989 = arith.cmpf oeq, %select_n3A_982, %eq3A_988 : vector<32x128xf32>
    %jit3A_990 = arith.constant 2147483647 : i32
    %broadcast_in_dim3A_991 = vector.broadcast %jit3A_990 : i32 to vector<32x128xi32>
    %select_n3A_992 = arith.select %eq3A_989, %get3A_4, %broadcast_in_dim3A_991 : vector<32x128xi1>, vector<32x128xi32>
    %reduce_min3A_993 = vector.shape_cast %select_n3A_992 : vector<32x128xi32> to vector<1x32x128xi32>
    %reduce_min3A_994 = arith.constant dense<2147483647> : vector<1xi32>
    %reduce_min3A_995 = vector.multi_reduction <minsi>, %reduce_min3A_993, %reduce_min3A_994 [1, 2] : vector<1x32x128xi32> to vector<1xi32>
    %reduce_min3A_996 = vector.shape_cast %reduce_min3A_995 : vector<1xi32> to vector<1x1x1xi32>
    %reduce_min3A_997 = vector.extract %reduce_min3A_996[0, 0, 0] : i32 from vector<1x1x1xi32>
    %eq3A_998 = arith.constant 35 : i32
    %eq3A_999 = vector.broadcast %eq3A_998 : i32 to vector<1x64xi32>
    %eq3A_1000 = arith.cmpi eq, %iota3A, %eq3A_999 : vector<1x64xi32>
    %broadcast_in_dim3A_1001 = vector.broadcast %reduce_max3A_987 : f32 to vector<1x64xf32>
    %select_n3A_1002 = arith.select %eq3A_1000, %broadcast_in_dim3A_1001, %select_n3A_974 : vector<1x64xi1>, vector<1x64xf32>
    %eq3A_1003 = arith.constant 35 : i32
    %eq3A_1004 = vector.broadcast %eq3A_1003 : i32 to vector<1x64xi32>
    %eq3A_1005 = arith.cmpi eq, %iota3A, %eq3A_1004 : vector<1x64xi32>
    %broadcast_in_dim3A_1006 = vector.broadcast %reduce_min3A_997 : i32 to vector<1x64xi32>
    %select_n3A_1007 = arith.select %eq3A_1005, %broadcast_in_dim3A_1006, %select_n3A_979 : vector<1x64xi1>, vector<1x64xi32>
    %jit3A_1008 = arith.constant -3.000000e+38 : f32
    %broadcast_in_dim3A_1009 = vector.broadcast %jit3A_1008 : f32 to vector<32x128xf32>
    %select_n3A_1010 = arith.select %eq3A_989, %broadcast_in_dim3A_1009, %select_n3A_982 : vector<32x128xi1>, vector<32x128xf32>
    %reduce_max3A_1011 = vector.shape_cast %select_n3A_1010 : vector<32x128xf32> to vector<1x32x128xf32>
    %reduce_max3A_1012 = arith.constant dense<0xFF800000> : vector<1xf32>
    %reduce_max3A_1013 = vector.multi_reduction <maximumf>, %reduce_max3A_1011, %reduce_max3A_1012 [1, 2] : vector<1x32x128xf32> to vector<1xf32>
    %reduce_max3A_1014 = vector.shape_cast %reduce_max3A_1013 : vector<1xf32> to vector<1x1x1xf32>
    %reduce_max3A_1015 = vector.extract %reduce_max3A_1014[0, 0, 0] : f32 from vector<1x1x1xf32>
    %eq3A_1016 = vector.broadcast %reduce_max3A_1015 : f32 to vector<32x128xf32>
    %eq3A_1017 = arith.cmpf oeq, %select_n3A_1010, %eq3A_1016 : vector<32x128xf32>
    %jit3A_1018 = arith.constant 2147483647 : i32
    %broadcast_in_dim3A_1019 = vector.broadcast %jit3A_1018 : i32 to vector<32x128xi32>
    %select_n3A_1020 = arith.select %eq3A_1017, %get3A_4, %broadcast_in_dim3A_1019 : vector<32x128xi1>, vector<32x128xi32>
    %reduce_min3A_1021 = vector.shape_cast %select_n3A_1020 : vector<32x128xi32> to vector<1x32x128xi32>
    %reduce_min3A_1022 = arith.constant dense<2147483647> : vector<1xi32>
    %reduce_min3A_1023 = vector.multi_reduction <minsi>, %reduce_min3A_1021, %reduce_min3A_1022 [1, 2] : vector<1x32x128xi32> to vector<1xi32>
    %reduce_min3A_1024 = vector.shape_cast %reduce_min3A_1023 : vector<1xi32> to vector<1x1x1xi32>
    %reduce_min3A_1025 = vector.extract %reduce_min3A_1024[0, 0, 0] : i32 from vector<1x1x1xi32>
    %eq3A_1026 = arith.constant 36 : i32
    %eq3A_1027 = vector.broadcast %eq3A_1026 : i32 to vector<1x64xi32>
    %eq3A_1028 = arith.cmpi eq, %iota3A, %eq3A_1027 : vector<1x64xi32>
    %broadcast_in_dim3A_1029 = vector.broadcast %reduce_max3A_1015 : f32 to vector<1x64xf32>
    %select_n3A_1030 = arith.select %eq3A_1028, %broadcast_in_dim3A_1029, %select_n3A_1002 : vector<1x64xi1>, vector<1x64xf32>
    %eq3A_1031 = arith.constant 36 : i32
    %eq3A_1032 = vector.broadcast %eq3A_1031 : i32 to vector<1x64xi32>
    %eq3A_1033 = arith.cmpi eq, %iota3A, %eq3A_1032 : vector<1x64xi32>
    %broadcast_in_dim3A_1034 = vector.broadcast %reduce_min3A_1025 : i32 to vector<1x64xi32>
    %select_n3A_1035 = arith.select %eq3A_1033, %broadcast_in_dim3A_1034, %select_n3A_1007 : vector<1x64xi1>, vector<1x64xi32>
    %jit3A_1036 = arith.constant -3.000000e+38 : f32
    %broadcast_in_dim3A_1037 = vector.broadcast %jit3A_1036 : f32 to vector<32x128xf32>
    %select_n3A_1038 = arith.select %eq3A_1017, %broadcast_in_dim3A_1037, %select_n3A_1010 : vector<32x128xi1>, vector<32x128xf32>
    %reduce_max3A_1039 = vector.shape_cast %select_n3A_1038 : vector<32x128xf32> to vector<1x32x128xf32>
    %reduce_max3A_1040 = arith.constant dense<0xFF800000> : vector<1xf32>
    %reduce_max3A_1041 = vector.multi_reduction <maximumf>, %reduce_max3A_1039, %reduce_max3A_1040 [1, 2] : vector<1x32x128xf32> to vector<1xf32>
    %reduce_max3A_1042 = vector.shape_cast %reduce_max3A_1041 : vector<1xf32> to vector<1x1x1xf32>
    %reduce_max3A_1043 = vector.extract %reduce_max3A_1042[0, 0, 0] : f32 from vector<1x1x1xf32>
    %eq3A_1044 = vector.broadcast %reduce_max3A_1043 : f32 to vector<32x128xf32>
    %eq3A_1045 = arith.cmpf oeq, %select_n3A_1038, %eq3A_1044 : vector<32x128xf32>
    %jit3A_1046 = arith.constant 2147483647 : i32
    %broadcast_in_dim3A_1047 = vector.broadcast %jit3A_1046 : i32 to vector<32x128xi32>
    %select_n3A_1048 = arith.select %eq3A_1045, %get3A_4, %broadcast_in_dim3A_1047 : vector<32x128xi1>, vector<32x128xi32>
    %reduce_min3A_1049 = vector.shape_cast %select_n3A_1048 : vector<32x128xi32> to vector<1x32x128xi32>
    %reduce_min3A_1050 = arith.constant dense<2147483647> : vector<1xi32>
    %reduce_min3A_1051 = vector.multi_reduction <minsi>, %reduce_min3A_1049, %reduce_min3A_1050 [1, 2] : vector<1x32x128xi32> to vector<1xi32>
    %reduce_min3A_1052 = vector.shape_cast %reduce_min3A_1051 : vector<1xi32> to vector<1x1x1xi32>
    %reduce_min3A_1053 = vector.extract %reduce_min3A_1052[0, 0, 0] : i32 from vector<1x1x1xi32>
    %eq3A_1054 = arith.constant 37 : i32
    %eq3A_1055 = vector.broadcast %eq3A_1054 : i32 to vector<1x64xi32>
    %eq3A_1056 = arith.cmpi eq, %iota3A, %eq3A_1055 : vector<1x64xi32>
    %broadcast_in_dim3A_1057 = vector.broadcast %reduce_max3A_1043 : f32 to vector<1x64xf32>
    %select_n3A_1058 = arith.select %eq3A_1056, %broadcast_in_dim3A_1057, %select_n3A_1030 : vector<1x64xi1>, vector<1x64xf32>
    %eq3A_1059 = arith.constant 37 : i32
    %eq3A_1060 = vector.broadcast %eq3A_1059 : i32 to vector<1x64xi32>
    %eq3A_1061 = arith.cmpi eq, %iota3A, %eq3A_1060 : vector<1x64xi32>
    %broadcast_in_dim3A_1062 = vector.broadcast %reduce_min3A_1053 : i32 to vector<1x64xi32>
    %select_n3A_1063 = arith.select %eq3A_1061, %broadcast_in_dim3A_1062, %select_n3A_1035 : vector<1x64xi1>, vector<1x64xi32>
    %jit3A_1064 = arith.constant -3.000000e+38 : f32
    %broadcast_in_dim3A_1065 = vector.broadcast %jit3A_1064 : f32 to vector<32x128xf32>
    %select_n3A_1066 = arith.select %eq3A_1045, %broadcast_in_dim3A_1065, %select_n3A_1038 : vector<32x128xi1>, vector<32x128xf32>
    %reduce_max3A_1067 = vector.shape_cast %select_n3A_1066 : vector<32x128xf32> to vector<1x32x128xf32>
    %reduce_max3A_1068 = arith.constant dense<0xFF800000> : vector<1xf32>
    %reduce_max3A_1069 = vector.multi_reduction <maximumf>, %reduce_max3A_1067, %reduce_max3A_1068 [1, 2] : vector<1x32x128xf32> to vector<1xf32>
    %reduce_max3A_1070 = vector.shape_cast %reduce_max3A_1069 : vector<1xf32> to vector<1x1x1xf32>
    %reduce_max3A_1071 = vector.extract %reduce_max3A_1070[0, 0, 0] : f32 from vector<1x1x1xf32>
    %eq3A_1072 = vector.broadcast %reduce_max3A_1071 : f32 to vector<32x128xf32>
    %eq3A_1073 = arith.cmpf oeq, %select_n3A_1066, %eq3A_1072 : vector<32x128xf32>
    %jit3A_1074 = arith.constant 2147483647 : i32
    %broadcast_in_dim3A_1075 = vector.broadcast %jit3A_1074 : i32 to vector<32x128xi32>
    %select_n3A_1076 = arith.select %eq3A_1073, %get3A_4, %broadcast_in_dim3A_1075 : vector<32x128xi1>, vector<32x128xi32>
    %reduce_min3A_1077 = vector.shape_cast %select_n3A_1076 : vector<32x128xi32> to vector<1x32x128xi32>
    %reduce_min3A_1078 = arith.constant dense<2147483647> : vector<1xi32>
    %reduce_min3A_1079 = vector.multi_reduction <minsi>, %reduce_min3A_1077, %reduce_min3A_1078 [1, 2] : vector<1x32x128xi32> to vector<1xi32>
    %reduce_min3A_1080 = vector.shape_cast %reduce_min3A_1079 : vector<1xi32> to vector<1x1x1xi32>
    %reduce_min3A_1081 = vector.extract %reduce_min3A_1080[0, 0, 0] : i32 from vector<1x1x1xi32>
    %eq3A_1082 = arith.constant 38 : i32
    %eq3A_1083 = vector.broadcast %eq3A_1082 : i32 to vector<1x64xi32>
    %eq3A_1084 = arith.cmpi eq, %iota3A, %eq3A_1083 : vector<1x64xi32>
    %broadcast_in_dim3A_1085 = vector.broadcast %reduce_max3A_1071 : f32 to vector<1x64xf32>
    %select_n3A_1086 = arith.select %eq3A_1084, %broadcast_in_dim3A_1085, %select_n3A_1058 : vector<1x64xi1>, vector<1x64xf32>
    %eq3A_1087 = arith.constant 38 : i32
    %eq3A_1088 = vector.broadcast %eq3A_1087 : i32 to vector<1x64xi32>
    %eq3A_1089 = arith.cmpi eq, %iota3A, %eq3A_1088 : vector<1x64xi32>
    %broadcast_in_dim3A_1090 = vector.broadcast %reduce_min3A_1081 : i32 to vector<1x64xi32>
    %select_n3A_1091 = arith.select %eq3A_1089, %broadcast_in_dim3A_1090, %select_n3A_1063 : vector<1x64xi1>, vector<1x64xi32>
    %jit3A_1092 = arith.constant -3.000000e+38 : f32
    %broadcast_in_dim3A_1093 = vector.broadcast %jit3A_1092 : f32 to vector<32x128xf32>
    %select_n3A_1094 = arith.select %eq3A_1073, %broadcast_in_dim3A_1093, %select_n3A_1066 : vector<32x128xi1>, vector<32x128xf32>
    %reduce_max3A_1095 = vector.shape_cast %select_n3A_1094 : vector<32x128xf32> to vector<1x32x128xf32>
    %reduce_max3A_1096 = arith.constant dense<0xFF800000> : vector<1xf32>
    %reduce_max3A_1097 = vector.multi_reduction <maximumf>, %reduce_max3A_1095, %reduce_max3A_1096 [1, 2] : vector<1x32x128xf32> to vector<1xf32>
    %reduce_max3A_1098 = vector.shape_cast %reduce_max3A_1097 : vector<1xf32> to vector<1x1x1xf32>
    %reduce_max3A_1099 = vector.extract %reduce_max3A_1098[0, 0, 0] : f32 from vector<1x1x1xf32>
    %eq3A_1100 = vector.broadcast %reduce_max3A_1099 : f32 to vector<32x128xf32>
    %eq3A_1101 = arith.cmpf oeq, %select_n3A_1094, %eq3A_1100 : vector<32x128xf32>
    %jit3A_1102 = arith.constant 2147483647 : i32
    %broadcast_in_dim3A_1103 = vector.broadcast %jit3A_1102 : i32 to vector<32x128xi32>
    %select_n3A_1104 = arith.select %eq3A_1101, %get3A_4, %broadcast_in_dim3A_1103 : vector<32x128xi1>, vector<32x128xi32>
    %reduce_min3A_1105 = vector.shape_cast %select_n3A_1104 : vector<32x128xi32> to vector<1x32x128xi32>
    %reduce_min3A_1106 = arith.constant dense<2147483647> : vector<1xi32>
    %reduce_min3A_1107 = vector.multi_reduction <minsi>, %reduce_min3A_1105, %reduce_min3A_1106 [1, 2] : vector<1x32x128xi32> to vector<1xi32>
    %reduce_min3A_1108 = vector.shape_cast %reduce_min3A_1107 : vector<1xi32> to vector<1x1x1xi32>
    %reduce_min3A_1109 = vector.extract %reduce_min3A_1108[0, 0, 0] : i32 from vector<1x1x1xi32>
    %eq3A_1110 = arith.constant 39 : i32
    %eq3A_1111 = vector.broadcast %eq3A_1110 : i32 to vector<1x64xi32>
    %eq3A_1112 = arith.cmpi eq, %iota3A, %eq3A_1111 : vector<1x64xi32>
    %broadcast_in_dim3A_1113 = vector.broadcast %reduce_max3A_1099 : f32 to vector<1x64xf32>
    %select_n3A_1114 = arith.select %eq3A_1112, %broadcast_in_dim3A_1113, %select_n3A_1086 : vector<1x64xi1>, vector<1x64xf32>
    %eq3A_1115 = arith.constant 39 : i32
    %eq3A_1116 = vector.broadcast %eq3A_1115 : i32 to vector<1x64xi32>
    %eq3A_1117 = arith.cmpi eq, %iota3A, %eq3A_1116 : vector<1x64xi32>
    %broadcast_in_dim3A_1118 = vector.broadcast %reduce_min3A_1109 : i32 to vector<1x64xi32>
    %select_n3A_1119 = arith.select %eq3A_1117, %broadcast_in_dim3A_1118, %select_n3A_1091 : vector<1x64xi1>, vector<1x64xi32>
    %jit3A_1120 = arith.constant -3.000000e+38 : f32
    %broadcast_in_dim3A_1121 = vector.broadcast %jit3A_1120 : f32 to vector<32x128xf32>
    %select_n3A_1122 = arith.select %eq3A_1101, %broadcast_in_dim3A_1121, %select_n3A_1094 : vector<32x128xi1>, vector<32x128xf32>
    %reduce_max3A_1123 = vector.shape_cast %select_n3A_1122 : vector<32x128xf32> to vector<1x32x128xf32>
    %reduce_max3A_1124 = arith.constant dense<0xFF800000> : vector<1xf32>
    %reduce_max3A_1125 = vector.multi_reduction <maximumf>, %reduce_max3A_1123, %reduce_max3A_1124 [1, 2] : vector<1x32x128xf32> to vector<1xf32>
    %reduce_max3A_1126 = vector.shape_cast %reduce_max3A_1125 : vector<1xf32> to vector<1x1x1xf32>
    %reduce_max3A_1127 = vector.extract %reduce_max3A_1126[0, 0, 0] : f32 from vector<1x1x1xf32>
    %eq3A_1128 = vector.broadcast %reduce_max3A_1127 : f32 to vector<32x128xf32>
    %eq3A_1129 = arith.cmpf oeq, %select_n3A_1122, %eq3A_1128 : vector<32x128xf32>
    %jit3A_1130 = arith.constant 2147483647 : i32
    %broadcast_in_dim3A_1131 = vector.broadcast %jit3A_1130 : i32 to vector<32x128xi32>
    %select_n3A_1132 = arith.select %eq3A_1129, %get3A_4, %broadcast_in_dim3A_1131 : vector<32x128xi1>, vector<32x128xi32>
    %reduce_min3A_1133 = vector.shape_cast %select_n3A_1132 : vector<32x128xi32> to vector<1x32x128xi32>
    %reduce_min3A_1134 = arith.constant dense<2147483647> : vector<1xi32>
    %reduce_min3A_1135 = vector.multi_reduction <minsi>, %reduce_min3A_1133, %reduce_min3A_1134 [1, 2] : vector<1x32x128xi32> to vector<1xi32>
    %reduce_min3A_1136 = vector.shape_cast %reduce_min3A_1135 : vector<1xi32> to vector<1x1x1xi32>
    %reduce_min3A_1137 = vector.extract %reduce_min3A_1136[0, 0, 0] : i32 from vector<1x1x1xi32>
    %eq3A_1138 = arith.constant 40 : i32
    %eq3A_1139 = vector.broadcast %eq3A_1138 : i32 to vector<1x64xi32>
    %eq3A_1140 = arith.cmpi eq, %iota3A, %eq3A_1139 : vector<1x64xi32>
    %broadcast_in_dim3A_1141 = vector.broadcast %reduce_max3A_1127 : f32 to vector<1x64xf32>
    %select_n3A_1142 = arith.select %eq3A_1140, %broadcast_in_dim3A_1141, %select_n3A_1114 : vector<1x64xi1>, vector<1x64xf32>
    %eq3A_1143 = arith.constant 40 : i32
    %eq3A_1144 = vector.broadcast %eq3A_1143 : i32 to vector<1x64xi32>
    %eq3A_1145 = arith.cmpi eq, %iota3A, %eq3A_1144 : vector<1x64xi32>
    %broadcast_in_dim3A_1146 = vector.broadcast %reduce_min3A_1137 : i32 to vector<1x64xi32>
    %select_n3A_1147 = arith.select %eq3A_1145, %broadcast_in_dim3A_1146, %select_n3A_1119 : vector<1x64xi1>, vector<1x64xi32>
    %jit3A_1148 = arith.constant -3.000000e+38 : f32
    %broadcast_in_dim3A_1149 = vector.broadcast %jit3A_1148 : f32 to vector<32x128xf32>
    %select_n3A_1150 = arith.select %eq3A_1129, %broadcast_in_dim3A_1149, %select_n3A_1122 : vector<32x128xi1>, vector<32x128xf32>
    %reduce_max3A_1151 = vector.shape_cast %select_n3A_1150 : vector<32x128xf32> to vector<1x32x128xf32>
    %reduce_max3A_1152 = arith.constant dense<0xFF800000> : vector<1xf32>
    %reduce_max3A_1153 = vector.multi_reduction <maximumf>, %reduce_max3A_1151, %reduce_max3A_1152 [1, 2] : vector<1x32x128xf32> to vector<1xf32>
    %reduce_max3A_1154 = vector.shape_cast %reduce_max3A_1153 : vector<1xf32> to vector<1x1x1xf32>
    %reduce_max3A_1155 = vector.extract %reduce_max3A_1154[0, 0, 0] : f32 from vector<1x1x1xf32>
    %eq3A_1156 = vector.broadcast %reduce_max3A_1155 : f32 to vector<32x128xf32>
    %eq3A_1157 = arith.cmpf oeq, %select_n3A_1150, %eq3A_1156 : vector<32x128xf32>
    %jit3A_1158 = arith.constant 2147483647 : i32
    %broadcast_in_dim3A_1159 = vector.broadcast %jit3A_1158 : i32 to vector<32x128xi32>
    %select_n3A_1160 = arith.select %eq3A_1157, %get3A_4, %broadcast_in_dim3A_1159 : vector<32x128xi1>, vector<32x128xi32>
    %reduce_min3A_1161 = vector.shape_cast %select_n3A_1160 : vector<32x128xi32> to vector<1x32x128xi32>
    %reduce_min3A_1162 = arith.constant dense<2147483647> : vector<1xi32>
    %reduce_min3A_1163 = vector.multi_reduction <minsi>, %reduce_min3A_1161, %reduce_min3A_1162 [1, 2] : vector<1x32x128xi32> to vector<1xi32>
    %reduce_min3A_1164 = vector.shape_cast %reduce_min3A_1163 : vector<1xi32> to vector<1x1x1xi32>
    %reduce_min3A_1165 = vector.extract %reduce_min3A_1164[0, 0, 0] : i32 from vector<1x1x1xi32>
    %eq3A_1166 = arith.constant 41 : i32
    %eq3A_1167 = vector.broadcast %eq3A_1166 : i32 to vector<1x64xi32>
    %eq3A_1168 = arith.cmpi eq, %iota3A, %eq3A_1167 : vector<1x64xi32>
    %broadcast_in_dim3A_1169 = vector.broadcast %reduce_max3A_1155 : f32 to vector<1x64xf32>
    %select_n3A_1170 = arith.select %eq3A_1168, %broadcast_in_dim3A_1169, %select_n3A_1142 : vector<1x64xi1>, vector<1x64xf32>
    %eq3A_1171 = arith.constant 41 : i32
    %eq3A_1172 = vector.broadcast %eq3A_1171 : i32 to vector<1x64xi32>
    %eq3A_1173 = arith.cmpi eq, %iota3A, %eq3A_1172 : vector<1x64xi32>
    %broadcast_in_dim3A_1174 = vector.broadcast %reduce_min3A_1165 : i32 to vector<1x64xi32>
    %select_n3A_1175 = arith.select %eq3A_1173, %broadcast_in_dim3A_1174, %select_n3A_1147 : vector<1x64xi1>, vector<1x64xi32>
    %jit3A_1176 = arith.constant -3.000000e+38 : f32
    %broadcast_in_dim3A_1177 = vector.broadcast %jit3A_1176 : f32 to vector<32x128xf32>
    %select_n3A_1178 = arith.select %eq3A_1157, %broadcast_in_dim3A_1177, %select_n3A_1150 : vector<32x128xi1>, vector<32x128xf32>
    %reduce_max3A_1179 = vector.shape_cast %select_n3A_1178 : vector<32x128xf32> to vector<1x32x128xf32>
    %reduce_max3A_1180 = arith.constant dense<0xFF800000> : vector<1xf32>
    %reduce_max3A_1181 = vector.multi_reduction <maximumf>, %reduce_max3A_1179, %reduce_max3A_1180 [1, 2] : vector<1x32x128xf32> to vector<1xf32>
    %reduce_max3A_1182 = vector.shape_cast %reduce_max3A_1181 : vector<1xf32> to vector<1x1x1xf32>
    %reduce_max3A_1183 = vector.extract %reduce_max3A_1182[0, 0, 0] : f32 from vector<1x1x1xf32>
    %eq3A_1184 = vector.broadcast %reduce_max3A_1183 : f32 to vector<32x128xf32>
    %eq3A_1185 = arith.cmpf oeq, %select_n3A_1178, %eq3A_1184 : vector<32x128xf32>
    %jit3A_1186 = arith.constant 2147483647 : i32
    %broadcast_in_dim3A_1187 = vector.broadcast %jit3A_1186 : i32 to vector<32x128xi32>
    %select_n3A_1188 = arith.select %eq3A_1185, %get3A_4, %broadcast_in_dim3A_1187 : vector<32x128xi1>, vector<32x128xi32>
    %reduce_min3A_1189 = vector.shape_cast %select_n3A_1188 : vector<32x128xi32> to vector<1x32x128xi32>
    %reduce_min3A_1190 = arith.constant dense<2147483647> : vector<1xi32>
    %reduce_min3A_1191 = vector.multi_reduction <minsi>, %reduce_min3A_1189, %reduce_min3A_1190 [1, 2] : vector<1x32x128xi32> to vector<1xi32>
    %reduce_min3A_1192 = vector.shape_cast %reduce_min3A_1191 : vector<1xi32> to vector<1x1x1xi32>
    %reduce_min3A_1193 = vector.extract %reduce_min3A_1192[0, 0, 0] : i32 from vector<1x1x1xi32>
    %eq3A_1194 = arith.constant 42 : i32
    %eq3A_1195 = vector.broadcast %eq3A_1194 : i32 to vector<1x64xi32>
    %eq3A_1196 = arith.cmpi eq, %iota3A, %eq3A_1195 : vector<1x64xi32>
    %broadcast_in_dim3A_1197 = vector.broadcast %reduce_max3A_1183 : f32 to vector<1x64xf32>
    %select_n3A_1198 = arith.select %eq3A_1196, %broadcast_in_dim3A_1197, %select_n3A_1170 : vector<1x64xi1>, vector<1x64xf32>
    %eq3A_1199 = arith.constant 42 : i32
    %eq3A_1200 = vector.broadcast %eq3A_1199 : i32 to vector<1x64xi32>
    %eq3A_1201 = arith.cmpi eq, %iota3A, %eq3A_1200 : vector<1x64xi32>
    %broadcast_in_dim3A_1202 = vector.broadcast %reduce_min3A_1193 : i32 to vector<1x64xi32>
    %select_n3A_1203 = arith.select %eq3A_1201, %broadcast_in_dim3A_1202, %select_n3A_1175 : vector<1x64xi1>, vector<1x64xi32>
    %jit3A_1204 = arith.constant -3.000000e+38 : f32
    %broadcast_in_dim3A_1205 = vector.broadcast %jit3A_1204 : f32 to vector<32x128xf32>
    %select_n3A_1206 = arith.select %eq3A_1185, %broadcast_in_dim3A_1205, %select_n3A_1178 : vector<32x128xi1>, vector<32x128xf32>
    %reduce_max3A_1207 = vector.shape_cast %select_n3A_1206 : vector<32x128xf32> to vector<1x32x128xf32>
    %reduce_max3A_1208 = arith.constant dense<0xFF800000> : vector<1xf32>
    %reduce_max3A_1209 = vector.multi_reduction <maximumf>, %reduce_max3A_1207, %reduce_max3A_1208 [1, 2] : vector<1x32x128xf32> to vector<1xf32>
    %reduce_max3A_1210 = vector.shape_cast %reduce_max3A_1209 : vector<1xf32> to vector<1x1x1xf32>
    %reduce_max3A_1211 = vector.extract %reduce_max3A_1210[0, 0, 0] : f32 from vector<1x1x1xf32>
    %eq3A_1212 = vector.broadcast %reduce_max3A_1211 : f32 to vector<32x128xf32>
    %eq3A_1213 = arith.cmpf oeq, %select_n3A_1206, %eq3A_1212 : vector<32x128xf32>
    %jit3A_1214 = arith.constant 2147483647 : i32
    %broadcast_in_dim3A_1215 = vector.broadcast %jit3A_1214 : i32 to vector<32x128xi32>
    %select_n3A_1216 = arith.select %eq3A_1213, %get3A_4, %broadcast_in_dim3A_1215 : vector<32x128xi1>, vector<32x128xi32>
    %reduce_min3A_1217 = vector.shape_cast %select_n3A_1216 : vector<32x128xi32> to vector<1x32x128xi32>
    %reduce_min3A_1218 = arith.constant dense<2147483647> : vector<1xi32>
    %reduce_min3A_1219 = vector.multi_reduction <minsi>, %reduce_min3A_1217, %reduce_min3A_1218 [1, 2] : vector<1x32x128xi32> to vector<1xi32>
    %reduce_min3A_1220 = vector.shape_cast %reduce_min3A_1219 : vector<1xi32> to vector<1x1x1xi32>
    %reduce_min3A_1221 = vector.extract %reduce_min3A_1220[0, 0, 0] : i32 from vector<1x1x1xi32>
    %eq3A_1222 = arith.constant 43 : i32
    %eq3A_1223 = vector.broadcast %eq3A_1222 : i32 to vector<1x64xi32>
    %eq3A_1224 = arith.cmpi eq, %iota3A, %eq3A_1223 : vector<1x64xi32>
    %broadcast_in_dim3A_1225 = vector.broadcast %reduce_max3A_1211 : f32 to vector<1x64xf32>
    %select_n3A_1226 = arith.select %eq3A_1224, %broadcast_in_dim3A_1225, %select_n3A_1198 : vector<1x64xi1>, vector<1x64xf32>
    %eq3A_1227 = arith.constant 43 : i32
    %eq3A_1228 = vector.broadcast %eq3A_1227 : i32 to vector<1x64xi32>
    %eq3A_1229 = arith.cmpi eq, %iota3A, %eq3A_1228 : vector<1x64xi32>
    %broadcast_in_dim3A_1230 = vector.broadcast %reduce_min3A_1221 : i32 to vector<1x64xi32>
    %select_n3A_1231 = arith.select %eq3A_1229, %broadcast_in_dim3A_1230, %select_n3A_1203 : vector<1x64xi1>, vector<1x64xi32>
    %jit3A_1232 = arith.constant -3.000000e+38 : f32
    %broadcast_in_dim3A_1233 = vector.broadcast %jit3A_1232 : f32 to vector<32x128xf32>
    %select_n3A_1234 = arith.select %eq3A_1213, %broadcast_in_dim3A_1233, %select_n3A_1206 : vector<32x128xi1>, vector<32x128xf32>
    %reduce_max3A_1235 = vector.shape_cast %select_n3A_1234 : vector<32x128xf32> to vector<1x32x128xf32>
    %reduce_max3A_1236 = arith.constant dense<0xFF800000> : vector<1xf32>
    %reduce_max3A_1237 = vector.multi_reduction <maximumf>, %reduce_max3A_1235, %reduce_max3A_1236 [1, 2] : vector<1x32x128xf32> to vector<1xf32>
    %reduce_max3A_1238 = vector.shape_cast %reduce_max3A_1237 : vector<1xf32> to vector<1x1x1xf32>
    %reduce_max3A_1239 = vector.extract %reduce_max3A_1238[0, 0, 0] : f32 from vector<1x1x1xf32>
    %eq3A_1240 = vector.broadcast %reduce_max3A_1239 : f32 to vector<32x128xf32>
    %eq3A_1241 = arith.cmpf oeq, %select_n3A_1234, %eq3A_1240 : vector<32x128xf32>
    %jit3A_1242 = arith.constant 2147483647 : i32
    %broadcast_in_dim3A_1243 = vector.broadcast %jit3A_1242 : i32 to vector<32x128xi32>
    %select_n3A_1244 = arith.select %eq3A_1241, %get3A_4, %broadcast_in_dim3A_1243 : vector<32x128xi1>, vector<32x128xi32>
    %reduce_min3A_1245 = vector.shape_cast %select_n3A_1244 : vector<32x128xi32> to vector<1x32x128xi32>
    %reduce_min3A_1246 = arith.constant dense<2147483647> : vector<1xi32>
    %reduce_min3A_1247 = vector.multi_reduction <minsi>, %reduce_min3A_1245, %reduce_min3A_1246 [1, 2] : vector<1x32x128xi32> to vector<1xi32>
    %reduce_min3A_1248 = vector.shape_cast %reduce_min3A_1247 : vector<1xi32> to vector<1x1x1xi32>
    %reduce_min3A_1249 = vector.extract %reduce_min3A_1248[0, 0, 0] : i32 from vector<1x1x1xi32>
    %eq3A_1250 = arith.constant 44 : i32
    %eq3A_1251 = vector.broadcast %eq3A_1250 : i32 to vector<1x64xi32>
    %eq3A_1252 = arith.cmpi eq, %iota3A, %eq3A_1251 : vector<1x64xi32>
    %broadcast_in_dim3A_1253 = vector.broadcast %reduce_max3A_1239 : f32 to vector<1x64xf32>
    %select_n3A_1254 = arith.select %eq3A_1252, %broadcast_in_dim3A_1253, %select_n3A_1226 : vector<1x64xi1>, vector<1x64xf32>
    %eq3A_1255 = arith.constant 44 : i32
    %eq3A_1256 = vector.broadcast %eq3A_1255 : i32 to vector<1x64xi32>
    %eq3A_1257 = arith.cmpi eq, %iota3A, %eq3A_1256 : vector<1x64xi32>
    %broadcast_in_dim3A_1258 = vector.broadcast %reduce_min3A_1249 : i32 to vector<1x64xi32>
    %select_n3A_1259 = arith.select %eq3A_1257, %broadcast_in_dim3A_1258, %select_n3A_1231 : vector<1x64xi1>, vector<1x64xi32>
    %jit3A_1260 = arith.constant -3.000000e+38 : f32
    %broadcast_in_dim3A_1261 = vector.broadcast %jit3A_1260 : f32 to vector<32x128xf32>
    %select_n3A_1262 = arith.select %eq3A_1241, %broadcast_in_dim3A_1261, %select_n3A_1234 : vector<32x128xi1>, vector<32x128xf32>
    %reduce_max3A_1263 = vector.shape_cast %select_n3A_1262 : vector<32x128xf32> to vector<1x32x128xf32>
    %reduce_max3A_1264 = arith.constant dense<0xFF800000> : vector<1xf32>
    %reduce_max3A_1265 = vector.multi_reduction <maximumf>, %reduce_max3A_1263, %reduce_max3A_1264 [1, 2] : vector<1x32x128xf32> to vector<1xf32>
    %reduce_max3A_1266 = vector.shape_cast %reduce_max3A_1265 : vector<1xf32> to vector<1x1x1xf32>
    %reduce_max3A_1267 = vector.extract %reduce_max3A_1266[0, 0, 0] : f32 from vector<1x1x1xf32>
    %eq3A_1268 = vector.broadcast %reduce_max3A_1267 : f32 to vector<32x128xf32>
    %eq3A_1269 = arith.cmpf oeq, %select_n3A_1262, %eq3A_1268 : vector<32x128xf32>
    %jit3A_1270 = arith.constant 2147483647 : i32
    %broadcast_in_dim3A_1271 = vector.broadcast %jit3A_1270 : i32 to vector<32x128xi32>
    %select_n3A_1272 = arith.select %eq3A_1269, %get3A_4, %broadcast_in_dim3A_1271 : vector<32x128xi1>, vector<32x128xi32>
    %reduce_min3A_1273 = vector.shape_cast %select_n3A_1272 : vector<32x128xi32> to vector<1x32x128xi32>
    %reduce_min3A_1274 = arith.constant dense<2147483647> : vector<1xi32>
    %reduce_min3A_1275 = vector.multi_reduction <minsi>, %reduce_min3A_1273, %reduce_min3A_1274 [1, 2] : vector<1x32x128xi32> to vector<1xi32>
    %reduce_min3A_1276 = vector.shape_cast %reduce_min3A_1275 : vector<1xi32> to vector<1x1x1xi32>
    %reduce_min3A_1277 = vector.extract %reduce_min3A_1276[0, 0, 0] : i32 from vector<1x1x1xi32>
    %eq3A_1278 = arith.constant 45 : i32
    %eq3A_1279 = vector.broadcast %eq3A_1278 : i32 to vector<1x64xi32>
    %eq3A_1280 = arith.cmpi eq, %iota3A, %eq3A_1279 : vector<1x64xi32>
    %broadcast_in_dim3A_1281 = vector.broadcast %reduce_max3A_1267 : f32 to vector<1x64xf32>
    %select_n3A_1282 = arith.select %eq3A_1280, %broadcast_in_dim3A_1281, %select_n3A_1254 : vector<1x64xi1>, vector<1x64xf32>
    %eq3A_1283 = arith.constant 45 : i32
    %eq3A_1284 = vector.broadcast %eq3A_1283 : i32 to vector<1x64xi32>
    %eq3A_1285 = arith.cmpi eq, %iota3A, %eq3A_1284 : vector<1x64xi32>
    %broadcast_in_dim3A_1286 = vector.broadcast %reduce_min3A_1277 : i32 to vector<1x64xi32>
    %select_n3A_1287 = arith.select %eq3A_1285, %broadcast_in_dim3A_1286, %select_n3A_1259 : vector<1x64xi1>, vector<1x64xi32>
    %jit3A_1288 = arith.constant -3.000000e+38 : f32
    %broadcast_in_dim3A_1289 = vector.broadcast %jit3A_1288 : f32 to vector<32x128xf32>
    %select_n3A_1290 = arith.select %eq3A_1269, %broadcast_in_dim3A_1289, %select_n3A_1262 : vector<32x128xi1>, vector<32x128xf32>
    %reduce_max3A_1291 = vector.shape_cast %select_n3A_1290 : vector<32x128xf32> to vector<1x32x128xf32>
    %reduce_max3A_1292 = arith.constant dense<0xFF800000> : vector<1xf32>
    %reduce_max3A_1293 = vector.multi_reduction <maximumf>, %reduce_max3A_1291, %reduce_max3A_1292 [1, 2] : vector<1x32x128xf32> to vector<1xf32>
    %reduce_max3A_1294 = vector.shape_cast %reduce_max3A_1293 : vector<1xf32> to vector<1x1x1xf32>
    %reduce_max3A_1295 = vector.extract %reduce_max3A_1294[0, 0, 0] : f32 from vector<1x1x1xf32>
    %eq3A_1296 = vector.broadcast %reduce_max3A_1295 : f32 to vector<32x128xf32>
    %eq3A_1297 = arith.cmpf oeq, %select_n3A_1290, %eq3A_1296 : vector<32x128xf32>
    %jit3A_1298 = arith.constant 2147483647 : i32
    %broadcast_in_dim3A_1299 = vector.broadcast %jit3A_1298 : i32 to vector<32x128xi32>
    %select_n3A_1300 = arith.select %eq3A_1297, %get3A_4, %broadcast_in_dim3A_1299 : vector<32x128xi1>, vector<32x128xi32>
    %reduce_min3A_1301 = vector.shape_cast %select_n3A_1300 : vector<32x128xi32> to vector<1x32x128xi32>
    %reduce_min3A_1302 = arith.constant dense<2147483647> : vector<1xi32>
    %reduce_min3A_1303 = vector.multi_reduction <minsi>, %reduce_min3A_1301, %reduce_min3A_1302 [1, 2] : vector<1x32x128xi32> to vector<1xi32>
    %reduce_min3A_1304 = vector.shape_cast %reduce_min3A_1303 : vector<1xi32> to vector<1x1x1xi32>
    %reduce_min3A_1305 = vector.extract %reduce_min3A_1304[0, 0, 0] : i32 from vector<1x1x1xi32>
    %eq3A_1306 = arith.constant 46 : i32
    %eq3A_1307 = vector.broadcast %eq3A_1306 : i32 to vector<1x64xi32>
    %eq3A_1308 = arith.cmpi eq, %iota3A, %eq3A_1307 : vector<1x64xi32>
    %broadcast_in_dim3A_1309 = vector.broadcast %reduce_max3A_1295 : f32 to vector<1x64xf32>
    %select_n3A_1310 = arith.select %eq3A_1308, %broadcast_in_dim3A_1309, %select_n3A_1282 : vector<1x64xi1>, vector<1x64xf32>
    %eq3A_1311 = arith.constant 46 : i32
    %eq3A_1312 = vector.broadcast %eq3A_1311 : i32 to vector<1x64xi32>
    %eq3A_1313 = arith.cmpi eq, %iota3A, %eq3A_1312 : vector<1x64xi32>
    %broadcast_in_dim3A_1314 = vector.broadcast %reduce_min3A_1305 : i32 to vector<1x64xi32>
    %select_n3A_1315 = arith.select %eq3A_1313, %broadcast_in_dim3A_1314, %select_n3A_1287 : vector<1x64xi1>, vector<1x64xi32>
    %jit3A_1316 = arith.constant -3.000000e+38 : f32
    %broadcast_in_dim3A_1317 = vector.broadcast %jit3A_1316 : f32 to vector<32x128xf32>
    %select_n3A_1318 = arith.select %eq3A_1297, %broadcast_in_dim3A_1317, %select_n3A_1290 : vector<32x128xi1>, vector<32x128xf32>
    %reduce_max3A_1319 = vector.shape_cast %select_n3A_1318 : vector<32x128xf32> to vector<1x32x128xf32>
    %reduce_max3A_1320 = arith.constant dense<0xFF800000> : vector<1xf32>
    %reduce_max3A_1321 = vector.multi_reduction <maximumf>, %reduce_max3A_1319, %reduce_max3A_1320 [1, 2] : vector<1x32x128xf32> to vector<1xf32>
    %reduce_max3A_1322 = vector.shape_cast %reduce_max3A_1321 : vector<1xf32> to vector<1x1x1xf32>
    %reduce_max3A_1323 = vector.extract %reduce_max3A_1322[0, 0, 0] : f32 from vector<1x1x1xf32>
    %eq3A_1324 = vector.broadcast %reduce_max3A_1323 : f32 to vector<32x128xf32>
    %eq3A_1325 = arith.cmpf oeq, %select_n3A_1318, %eq3A_1324 : vector<32x128xf32>
    %jit3A_1326 = arith.constant 2147483647 : i32
    %broadcast_in_dim3A_1327 = vector.broadcast %jit3A_1326 : i32 to vector<32x128xi32>
    %select_n3A_1328 = arith.select %eq3A_1325, %get3A_4, %broadcast_in_dim3A_1327 : vector<32x128xi1>, vector<32x128xi32>
    %reduce_min3A_1329 = vector.shape_cast %select_n3A_1328 : vector<32x128xi32> to vector<1x32x128xi32>
    %reduce_min3A_1330 = arith.constant dense<2147483647> : vector<1xi32>
    %reduce_min3A_1331 = vector.multi_reduction <minsi>, %reduce_min3A_1329, %reduce_min3A_1330 [1, 2] : vector<1x32x128xi32> to vector<1xi32>
    %reduce_min3A_1332 = vector.shape_cast %reduce_min3A_1331 : vector<1xi32> to vector<1x1x1xi32>
    %reduce_min3A_1333 = vector.extract %reduce_min3A_1332[0, 0, 0] : i32 from vector<1x1x1xi32>
    %eq3A_1334 = arith.constant 47 : i32
    %eq3A_1335 = vector.broadcast %eq3A_1334 : i32 to vector<1x64xi32>
    %eq3A_1336 = arith.cmpi eq, %iota3A, %eq3A_1335 : vector<1x64xi32>
    %broadcast_in_dim3A_1337 = vector.broadcast %reduce_max3A_1323 : f32 to vector<1x64xf32>
    %select_n3A_1338 = arith.select %eq3A_1336, %broadcast_in_dim3A_1337, %select_n3A_1310 : vector<1x64xi1>, vector<1x64xf32>
    %eq3A_1339 = arith.constant 47 : i32
    %eq3A_1340 = vector.broadcast %eq3A_1339 : i32 to vector<1x64xi32>
    %eq3A_1341 = arith.cmpi eq, %iota3A, %eq3A_1340 : vector<1x64xi32>
    %broadcast_in_dim3A_1342 = vector.broadcast %reduce_min3A_1333 : i32 to vector<1x64xi32>
    %select_n3A_1343 = arith.select %eq3A_1341, %broadcast_in_dim3A_1342, %select_n3A_1315 : vector<1x64xi1>, vector<1x64xi32>
    %jit3A_1344 = arith.constant -3.000000e+38 : f32
    %broadcast_in_dim3A_1345 = vector.broadcast %jit3A_1344 : f32 to vector<32x128xf32>
    %select_n3A_1346 = arith.select %eq3A_1325, %broadcast_in_dim3A_1345, %select_n3A_1318 : vector<32x128xi1>, vector<32x128xf32>
    %reduce_max3A_1347 = vector.shape_cast %select_n3A_1346 : vector<32x128xf32> to vector<1x32x128xf32>
    %reduce_max3A_1348 = arith.constant dense<0xFF800000> : vector<1xf32>
    %reduce_max3A_1349 = vector.multi_reduction <maximumf>, %reduce_max3A_1347, %reduce_max3A_1348 [1, 2] : vector<1x32x128xf32> to vector<1xf32>
    %reduce_max3A_1350 = vector.shape_cast %reduce_max3A_1349 : vector<1xf32> to vector<1x1x1xf32>
    %reduce_max3A_1351 = vector.extract %reduce_max3A_1350[0, 0, 0] : f32 from vector<1x1x1xf32>
    %eq3A_1352 = vector.broadcast %reduce_max3A_1351 : f32 to vector<32x128xf32>
    %eq3A_1353 = arith.cmpf oeq, %select_n3A_1346, %eq3A_1352 : vector<32x128xf32>
    %jit3A_1354 = arith.constant 2147483647 : i32
    %broadcast_in_dim3A_1355 = vector.broadcast %jit3A_1354 : i32 to vector<32x128xi32>
    %select_n3A_1356 = arith.select %eq3A_1353, %get3A_4, %broadcast_in_dim3A_1355 : vector<32x128xi1>, vector<32x128xi32>
    %reduce_min3A_1357 = vector.shape_cast %select_n3A_1356 : vector<32x128xi32> to vector<1x32x128xi32>
    %reduce_min3A_1358 = arith.constant dense<2147483647> : vector<1xi32>
    %reduce_min3A_1359 = vector.multi_reduction <minsi>, %reduce_min3A_1357, %reduce_min3A_1358 [1, 2] : vector<1x32x128xi32> to vector<1xi32>
    %reduce_min3A_1360 = vector.shape_cast %reduce_min3A_1359 : vector<1xi32> to vector<1x1x1xi32>
    %reduce_min3A_1361 = vector.extract %reduce_min3A_1360[0, 0, 0] : i32 from vector<1x1x1xi32>
    %eq3A_1362 = arith.constant 48 : i32
    %eq3A_1363 = vector.broadcast %eq3A_1362 : i32 to vector<1x64xi32>
    %eq3A_1364 = arith.cmpi eq, %iota3A, %eq3A_1363 : vector<1x64xi32>
    %broadcast_in_dim3A_1365 = vector.broadcast %reduce_max3A_1351 : f32 to vector<1x64xf32>
    %select_n3A_1366 = arith.select %eq3A_1364, %broadcast_in_dim3A_1365, %select_n3A_1338 : vector<1x64xi1>, vector<1x64xf32>
    %eq3A_1367 = arith.constant 48 : i32
    %eq3A_1368 = vector.broadcast %eq3A_1367 : i32 to vector<1x64xi32>
    %eq3A_1369 = arith.cmpi eq, %iota3A, %eq3A_1368 : vector<1x64xi32>
    %broadcast_in_dim3A_1370 = vector.broadcast %reduce_min3A_1361 : i32 to vector<1x64xi32>
    %select_n3A_1371 = arith.select %eq3A_1369, %broadcast_in_dim3A_1370, %select_n3A_1343 : vector<1x64xi1>, vector<1x64xi32>
    %jit3A_1372 = arith.constant -3.000000e+38 : f32
    %broadcast_in_dim3A_1373 = vector.broadcast %jit3A_1372 : f32 to vector<32x128xf32>
    %select_n3A_1374 = arith.select %eq3A_1353, %broadcast_in_dim3A_1373, %select_n3A_1346 : vector<32x128xi1>, vector<32x128xf32>
    %reduce_max3A_1375 = vector.shape_cast %select_n3A_1374 : vector<32x128xf32> to vector<1x32x128xf32>
    %reduce_max3A_1376 = arith.constant dense<0xFF800000> : vector<1xf32>
    %reduce_max3A_1377 = vector.multi_reduction <maximumf>, %reduce_max3A_1375, %reduce_max3A_1376 [1, 2] : vector<1x32x128xf32> to vector<1xf32>
    %reduce_max3A_1378 = vector.shape_cast %reduce_max3A_1377 : vector<1xf32> to vector<1x1x1xf32>
    %reduce_max3A_1379 = vector.extract %reduce_max3A_1378[0, 0, 0] : f32 from vector<1x1x1xf32>
    %eq3A_1380 = vector.broadcast %reduce_max3A_1379 : f32 to vector<32x128xf32>
    %eq3A_1381 = arith.cmpf oeq, %select_n3A_1374, %eq3A_1380 : vector<32x128xf32>
    %jit3A_1382 = arith.constant 2147483647 : i32
    %broadcast_in_dim3A_1383 = vector.broadcast %jit3A_1382 : i32 to vector<32x128xi32>
    %select_n3A_1384 = arith.select %eq3A_1381, %get3A_4, %broadcast_in_dim3A_1383 : vector<32x128xi1>, vector<32x128xi32>
    %reduce_min3A_1385 = vector.shape_cast %select_n3A_1384 : vector<32x128xi32> to vector<1x32x128xi32>
    %reduce_min3A_1386 = arith.constant dense<2147483647> : vector<1xi32>
    %reduce_min3A_1387 = vector.multi_reduction <minsi>, %reduce_min3A_1385, %reduce_min3A_1386 [1, 2] : vector<1x32x128xi32> to vector<1xi32>
    %reduce_min3A_1388 = vector.shape_cast %reduce_min3A_1387 : vector<1xi32> to vector<1x1x1xi32>
    %reduce_min3A_1389 = vector.extract %reduce_min3A_1388[0, 0, 0] : i32 from vector<1x1x1xi32>
    %eq3A_1390 = arith.constant 49 : i32
    %eq3A_1391 = vector.broadcast %eq3A_1390 : i32 to vector<1x64xi32>
    %eq3A_1392 = arith.cmpi eq, %iota3A, %eq3A_1391 : vector<1x64xi32>
    %broadcast_in_dim3A_1393 = vector.broadcast %reduce_max3A_1379 : f32 to vector<1x64xf32>
    %select_n3A_1394 = arith.select %eq3A_1392, %broadcast_in_dim3A_1393, %select_n3A_1366 : vector<1x64xi1>, vector<1x64xf32>
    %eq3A_1395 = arith.constant 49 : i32
    %eq3A_1396 = vector.broadcast %eq3A_1395 : i32 to vector<1x64xi32>
    %eq3A_1397 = arith.cmpi eq, %iota3A, %eq3A_1396 : vector<1x64xi32>
    %broadcast_in_dim3A_1398 = vector.broadcast %reduce_min3A_1389 : i32 to vector<1x64xi32>
    %select_n3A_1399 = arith.select %eq3A_1397, %broadcast_in_dim3A_1398, %select_n3A_1371 : vector<1x64xi1>, vector<1x64xi32>
    %jit3A_1400 = arith.constant -3.000000e+38 : f32
    %broadcast_in_dim3A_1401 = vector.broadcast %jit3A_1400 : f32 to vector<32x128xf32>
    %select_n3A_1402 = arith.select %eq3A_1381, %broadcast_in_dim3A_1401, %select_n3A_1374 : vector<32x128xi1>, vector<32x128xf32>
    %reduce_max3A_1403 = vector.shape_cast %select_n3A_1402 : vector<32x128xf32> to vector<1x32x128xf32>
    %reduce_max3A_1404 = arith.constant dense<0xFF800000> : vector<1xf32>
    %reduce_max3A_1405 = vector.multi_reduction <maximumf>, %reduce_max3A_1403, %reduce_max3A_1404 [1, 2] : vector<1x32x128xf32> to vector<1xf32>
    %reduce_max3A_1406 = vector.shape_cast %reduce_max3A_1405 : vector<1xf32> to vector<1x1x1xf32>
    %reduce_max3A_1407 = vector.extract %reduce_max3A_1406[0, 0, 0] : f32 from vector<1x1x1xf32>
    %eq3A_1408 = vector.broadcast %reduce_max3A_1407 : f32 to vector<32x128xf32>
    %eq3A_1409 = arith.cmpf oeq, %select_n3A_1402, %eq3A_1408 : vector<32x128xf32>
    %jit3A_1410 = arith.constant 2147483647 : i32
    %broadcast_in_dim3A_1411 = vector.broadcast %jit3A_1410 : i32 to vector<32x128xi32>
    %select_n3A_1412 = arith.select %eq3A_1409, %get3A_4, %broadcast_in_dim3A_1411 : vector<32x128xi1>, vector<32x128xi32>
    %reduce_min3A_1413 = vector.shape_cast %select_n3A_1412 : vector<32x128xi32> to vector<1x32x128xi32>
    %reduce_min3A_1414 = arith.constant dense<2147483647> : vector<1xi32>
    %reduce_min3A_1415 = vector.multi_reduction <minsi>, %reduce_min3A_1413, %reduce_min3A_1414 [1, 2] : vector<1x32x128xi32> to vector<1xi32>
    %reduce_min3A_1416 = vector.shape_cast %reduce_min3A_1415 : vector<1xi32> to vector<1x1x1xi32>
    %reduce_min3A_1417 = vector.extract %reduce_min3A_1416[0, 0, 0] : i32 from vector<1x1x1xi32>
    %eq3A_1418 = arith.constant 50 : i32
    %eq3A_1419 = vector.broadcast %eq3A_1418 : i32 to vector<1x64xi32>
    %eq3A_1420 = arith.cmpi eq, %iota3A, %eq3A_1419 : vector<1x64xi32>
    %broadcast_in_dim3A_1421 = vector.broadcast %reduce_max3A_1407 : f32 to vector<1x64xf32>
    %select_n3A_1422 = arith.select %eq3A_1420, %broadcast_in_dim3A_1421, %select_n3A_1394 : vector<1x64xi1>, vector<1x64xf32>
    %eq3A_1423 = arith.constant 50 : i32
    %eq3A_1424 = vector.broadcast %eq3A_1423 : i32 to vector<1x64xi32>
    %eq3A_1425 = arith.cmpi eq, %iota3A, %eq3A_1424 : vector<1x64xi32>
    %broadcast_in_dim3A_1426 = vector.broadcast %reduce_min3A_1417 : i32 to vector<1x64xi32>
    %select_n3A_1427 = arith.select %eq3A_1425, %broadcast_in_dim3A_1426, %select_n3A_1399 : vector<1x64xi1>, vector<1x64xi32>
    %jit3A_1428 = arith.constant -3.000000e+38 : f32
    %broadcast_in_dim3A_1429 = vector.broadcast %jit3A_1428 : f32 to vector<32x128xf32>
    %select_n3A_1430 = arith.select %eq3A_1409, %broadcast_in_dim3A_1429, %select_n3A_1402 : vector<32x128xi1>, vector<32x128xf32>
    %reduce_max3A_1431 = vector.shape_cast %select_n3A_1430 : vector<32x128xf32> to vector<1x32x128xf32>
    %reduce_max3A_1432 = arith.constant dense<0xFF800000> : vector<1xf32>
    %reduce_max3A_1433 = vector.multi_reduction <maximumf>, %reduce_max3A_1431, %reduce_max3A_1432 [1, 2] : vector<1x32x128xf32> to vector<1xf32>
    %reduce_max3A_1434 = vector.shape_cast %reduce_max3A_1433 : vector<1xf32> to vector<1x1x1xf32>
    %reduce_max3A_1435 = vector.extract %reduce_max3A_1434[0, 0, 0] : f32 from vector<1x1x1xf32>
    %eq3A_1436 = vector.broadcast %reduce_max3A_1435 : f32 to vector<32x128xf32>
    %eq3A_1437 = arith.cmpf oeq, %select_n3A_1430, %eq3A_1436 : vector<32x128xf32>
    %jit3A_1438 = arith.constant 2147483647 : i32
    %broadcast_in_dim3A_1439 = vector.broadcast %jit3A_1438 : i32 to vector<32x128xi32>
    %select_n3A_1440 = arith.select %eq3A_1437, %get3A_4, %broadcast_in_dim3A_1439 : vector<32x128xi1>, vector<32x128xi32>
    %reduce_min3A_1441 = vector.shape_cast %select_n3A_1440 : vector<32x128xi32> to vector<1x32x128xi32>
    %reduce_min3A_1442 = arith.constant dense<2147483647> : vector<1xi32>
    %reduce_min3A_1443 = vector.multi_reduction <minsi>, %reduce_min3A_1441, %reduce_min3A_1442 [1, 2] : vector<1x32x128xi32> to vector<1xi32>
    %reduce_min3A_1444 = vector.shape_cast %reduce_min3A_1443 : vector<1xi32> to vector<1x1x1xi32>
    %reduce_min3A_1445 = vector.extract %reduce_min3A_1444[0, 0, 0] : i32 from vector<1x1x1xi32>
    %eq3A_1446 = arith.constant 51 : i32
    %eq3A_1447 = vector.broadcast %eq3A_1446 : i32 to vector<1x64xi32>
    %eq3A_1448 = arith.cmpi eq, %iota3A, %eq3A_1447 : vector<1x64xi32>
    %broadcast_in_dim3A_1449 = vector.broadcast %reduce_max3A_1435 : f32 to vector<1x64xf32>
    %select_n3A_1450 = arith.select %eq3A_1448, %broadcast_in_dim3A_1449, %select_n3A_1422 : vector<1x64xi1>, vector<1x64xf32>
    %eq3A_1451 = arith.constant 51 : i32
    %eq3A_1452 = vector.broadcast %eq3A_1451 : i32 to vector<1x64xi32>
    %eq3A_1453 = arith.cmpi eq, %iota3A, %eq3A_1452 : vector<1x64xi32>
    %broadcast_in_dim3A_1454 = vector.broadcast %reduce_min3A_1445 : i32 to vector<1x64xi32>
    %select_n3A_1455 = arith.select %eq3A_1453, %broadcast_in_dim3A_1454, %select_n3A_1427 : vector<1x64xi1>, vector<1x64xi32>
    %jit3A_1456 = arith.constant -3.000000e+38 : f32
    %broadcast_in_dim3A_1457 = vector.broadcast %jit3A_1456 : f32 to vector<32x128xf32>
    %select_n3A_1458 = arith.select %eq3A_1437, %broadcast_in_dim3A_1457, %select_n3A_1430 : vector<32x128xi1>, vector<32x128xf32>
    %reduce_max3A_1459 = vector.shape_cast %select_n3A_1458 : vector<32x128xf32> to vector<1x32x128xf32>
    %reduce_max3A_1460 = arith.constant dense<0xFF800000> : vector<1xf32>
    %reduce_max3A_1461 = vector.multi_reduction <maximumf>, %reduce_max3A_1459, %reduce_max3A_1460 [1, 2] : vector<1x32x128xf32> to vector<1xf32>
    %reduce_max3A_1462 = vector.shape_cast %reduce_max3A_1461 : vector<1xf32> to vector<1x1x1xf32>
    %reduce_max3A_1463 = vector.extract %reduce_max3A_1462[0, 0, 0] : f32 from vector<1x1x1xf32>
    %eq3A_1464 = vector.broadcast %reduce_max3A_1463 : f32 to vector<32x128xf32>
    %eq3A_1465 = arith.cmpf oeq, %select_n3A_1458, %eq3A_1464 : vector<32x128xf32>
    %jit3A_1466 = arith.constant 2147483647 : i32
    %broadcast_in_dim3A_1467 = vector.broadcast %jit3A_1466 : i32 to vector<32x128xi32>
    %select_n3A_1468 = arith.select %eq3A_1465, %get3A_4, %broadcast_in_dim3A_1467 : vector<32x128xi1>, vector<32x128xi32>
    %reduce_min3A_1469 = vector.shape_cast %select_n3A_1468 : vector<32x128xi32> to vector<1x32x128xi32>
    %reduce_min3A_1470 = arith.constant dense<2147483647> : vector<1xi32>
    %reduce_min3A_1471 = vector.multi_reduction <minsi>, %reduce_min3A_1469, %reduce_min3A_1470 [1, 2] : vector<1x32x128xi32> to vector<1xi32>
    %reduce_min3A_1472 = vector.shape_cast %reduce_min3A_1471 : vector<1xi32> to vector<1x1x1xi32>
    %reduce_min3A_1473 = vector.extract %reduce_min3A_1472[0, 0, 0] : i32 from vector<1x1x1xi32>
    %eq3A_1474 = arith.constant 52 : i32
    %eq3A_1475 = vector.broadcast %eq3A_1474 : i32 to vector<1x64xi32>
    %eq3A_1476 = arith.cmpi eq, %iota3A, %eq3A_1475 : vector<1x64xi32>
    %broadcast_in_dim3A_1477 = vector.broadcast %reduce_max3A_1463 : f32 to vector<1x64xf32>
    %select_n3A_1478 = arith.select %eq3A_1476, %broadcast_in_dim3A_1477, %select_n3A_1450 : vector<1x64xi1>, vector<1x64xf32>
    %eq3A_1479 = arith.constant 52 : i32
    %eq3A_1480 = vector.broadcast %eq3A_1479 : i32 to vector<1x64xi32>
    %eq3A_1481 = arith.cmpi eq, %iota3A, %eq3A_1480 : vector<1x64xi32>
    %broadcast_in_dim3A_1482 = vector.broadcast %reduce_min3A_1473 : i32 to vector<1x64xi32>
    %select_n3A_1483 = arith.select %eq3A_1481, %broadcast_in_dim3A_1482, %select_n3A_1455 : vector<1x64xi1>, vector<1x64xi32>
    %jit3A_1484 = arith.constant -3.000000e+38 : f32
    %broadcast_in_dim3A_1485 = vector.broadcast %jit3A_1484 : f32 to vector<32x128xf32>
    %select_n3A_1486 = arith.select %eq3A_1465, %broadcast_in_dim3A_1485, %select_n3A_1458 : vector<32x128xi1>, vector<32x128xf32>
    %reduce_max3A_1487 = vector.shape_cast %select_n3A_1486 : vector<32x128xf32> to vector<1x32x128xf32>
    %reduce_max3A_1488 = arith.constant dense<0xFF800000> : vector<1xf32>
    %reduce_max3A_1489 = vector.multi_reduction <maximumf>, %reduce_max3A_1487, %reduce_max3A_1488 [1, 2] : vector<1x32x128xf32> to vector<1xf32>
    %reduce_max3A_1490 = vector.shape_cast %reduce_max3A_1489 : vector<1xf32> to vector<1x1x1xf32>
    %reduce_max3A_1491 = vector.extract %reduce_max3A_1490[0, 0, 0] : f32 from vector<1x1x1xf32>
    %eq3A_1492 = vector.broadcast %reduce_max3A_1491 : f32 to vector<32x128xf32>
    %eq3A_1493 = arith.cmpf oeq, %select_n3A_1486, %eq3A_1492 : vector<32x128xf32>
    %jit3A_1494 = arith.constant 2147483647 : i32
    %broadcast_in_dim3A_1495 = vector.broadcast %jit3A_1494 : i32 to vector<32x128xi32>
    %select_n3A_1496 = arith.select %eq3A_1493, %get3A_4, %broadcast_in_dim3A_1495 : vector<32x128xi1>, vector<32x128xi32>
    %reduce_min3A_1497 = vector.shape_cast %select_n3A_1496 : vector<32x128xi32> to vector<1x32x128xi32>
    %reduce_min3A_1498 = arith.constant dense<2147483647> : vector<1xi32>
    %reduce_min3A_1499 = vector.multi_reduction <minsi>, %reduce_min3A_1497, %reduce_min3A_1498 [1, 2] : vector<1x32x128xi32> to vector<1xi32>
    %reduce_min3A_1500 = vector.shape_cast %reduce_min3A_1499 : vector<1xi32> to vector<1x1x1xi32>
    %reduce_min3A_1501 = vector.extract %reduce_min3A_1500[0, 0, 0] : i32 from vector<1x1x1xi32>
    %eq3A_1502 = arith.constant 53 : i32
    %eq3A_1503 = vector.broadcast %eq3A_1502 : i32 to vector<1x64xi32>
    %eq3A_1504 = arith.cmpi eq, %iota3A, %eq3A_1503 : vector<1x64xi32>
    %broadcast_in_dim3A_1505 = vector.broadcast %reduce_max3A_1491 : f32 to vector<1x64xf32>
    %select_n3A_1506 = arith.select %eq3A_1504, %broadcast_in_dim3A_1505, %select_n3A_1478 : vector<1x64xi1>, vector<1x64xf32>
    %eq3A_1507 = arith.constant 53 : i32
    %eq3A_1508 = vector.broadcast %eq3A_1507 : i32 to vector<1x64xi32>
    %eq3A_1509 = arith.cmpi eq, %iota3A, %eq3A_1508 : vector<1x64xi32>
    %broadcast_in_dim3A_1510 = vector.broadcast %reduce_min3A_1501 : i32 to vector<1x64xi32>
    %select_n3A_1511 = arith.select %eq3A_1509, %broadcast_in_dim3A_1510, %select_n3A_1483 : vector<1x64xi1>, vector<1x64xi32>
    %jit3A_1512 = arith.constant -3.000000e+38 : f32
    %broadcast_in_dim3A_1513 = vector.broadcast %jit3A_1512 : f32 to vector<32x128xf32>
    %select_n3A_1514 = arith.select %eq3A_1493, %broadcast_in_dim3A_1513, %select_n3A_1486 : vector<32x128xi1>, vector<32x128xf32>
    %reduce_max3A_1515 = vector.shape_cast %select_n3A_1514 : vector<32x128xf32> to vector<1x32x128xf32>
    %reduce_max3A_1516 = arith.constant dense<0xFF800000> : vector<1xf32>
    %reduce_max3A_1517 = vector.multi_reduction <maximumf>, %reduce_max3A_1515, %reduce_max3A_1516 [1, 2] : vector<1x32x128xf32> to vector<1xf32>
    %reduce_max3A_1518 = vector.shape_cast %reduce_max3A_1517 : vector<1xf32> to vector<1x1x1xf32>
    %reduce_max3A_1519 = vector.extract %reduce_max3A_1518[0, 0, 0] : f32 from vector<1x1x1xf32>
    %eq3A_1520 = vector.broadcast %reduce_max3A_1519 : f32 to vector<32x128xf32>
    %eq3A_1521 = arith.cmpf oeq, %select_n3A_1514, %eq3A_1520 : vector<32x128xf32>
    %jit3A_1522 = arith.constant 2147483647 : i32
    %broadcast_in_dim3A_1523 = vector.broadcast %jit3A_1522 : i32 to vector<32x128xi32>
    %select_n3A_1524 = arith.select %eq3A_1521, %get3A_4, %broadcast_in_dim3A_1523 : vector<32x128xi1>, vector<32x128xi32>
    %reduce_min3A_1525 = vector.shape_cast %select_n3A_1524 : vector<32x128xi32> to vector<1x32x128xi32>
    %reduce_min3A_1526 = arith.constant dense<2147483647> : vector<1xi32>
    %reduce_min3A_1527 = vector.multi_reduction <minsi>, %reduce_min3A_1525, %reduce_min3A_1526 [1, 2] : vector<1x32x128xi32> to vector<1xi32>
    %reduce_min3A_1528 = vector.shape_cast %reduce_min3A_1527 : vector<1xi32> to vector<1x1x1xi32>
    %reduce_min3A_1529 = vector.extract %reduce_min3A_1528[0, 0, 0] : i32 from vector<1x1x1xi32>
    %eq3A_1530 = arith.constant 54 : i32
    %eq3A_1531 = vector.broadcast %eq3A_1530 : i32 to vector<1x64xi32>
    %eq3A_1532 = arith.cmpi eq, %iota3A, %eq3A_1531 : vector<1x64xi32>
    %broadcast_in_dim3A_1533 = vector.broadcast %reduce_max3A_1519 : f32 to vector<1x64xf32>
    %select_n3A_1534 = arith.select %eq3A_1532, %broadcast_in_dim3A_1533, %select_n3A_1506 : vector<1x64xi1>, vector<1x64xf32>
    %eq3A_1535 = arith.constant 54 : i32
    %eq3A_1536 = vector.broadcast %eq3A_1535 : i32 to vector<1x64xi32>
    %eq3A_1537 = arith.cmpi eq, %iota3A, %eq3A_1536 : vector<1x64xi32>
    %broadcast_in_dim3A_1538 = vector.broadcast %reduce_min3A_1529 : i32 to vector<1x64xi32>
    %select_n3A_1539 = arith.select %eq3A_1537, %broadcast_in_dim3A_1538, %select_n3A_1511 : vector<1x64xi1>, vector<1x64xi32>
    %jit3A_1540 = arith.constant -3.000000e+38 : f32
    %broadcast_in_dim3A_1541 = vector.broadcast %jit3A_1540 : f32 to vector<32x128xf32>
    %select_n3A_1542 = arith.select %eq3A_1521, %broadcast_in_dim3A_1541, %select_n3A_1514 : vector<32x128xi1>, vector<32x128xf32>
    %reduce_max3A_1543 = vector.shape_cast %select_n3A_1542 : vector<32x128xf32> to vector<1x32x128xf32>
    %reduce_max3A_1544 = arith.constant dense<0xFF800000> : vector<1xf32>
    %reduce_max3A_1545 = vector.multi_reduction <maximumf>, %reduce_max3A_1543, %reduce_max3A_1544 [1, 2] : vector<1x32x128xf32> to vector<1xf32>
    %reduce_max3A_1546 = vector.shape_cast %reduce_max3A_1545 : vector<1xf32> to vector<1x1x1xf32>
    %reduce_max3A_1547 = vector.extract %reduce_max3A_1546[0, 0, 0] : f32 from vector<1x1x1xf32>
    %eq3A_1548 = vector.broadcast %reduce_max3A_1547 : f32 to vector<32x128xf32>
    %eq3A_1549 = arith.cmpf oeq, %select_n3A_1542, %eq3A_1548 : vector<32x128xf32>
    %jit3A_1550 = arith.constant 2147483647 : i32
    %broadcast_in_dim3A_1551 = vector.broadcast %jit3A_1550 : i32 to vector<32x128xi32>
    %select_n3A_1552 = arith.select %eq3A_1549, %get3A_4, %broadcast_in_dim3A_1551 : vector<32x128xi1>, vector<32x128xi32>
    %reduce_min3A_1553 = vector.shape_cast %select_n3A_1552 : vector<32x128xi32> to vector<1x32x128xi32>
    %reduce_min3A_1554 = arith.constant dense<2147483647> : vector<1xi32>
    %reduce_min3A_1555 = vector.multi_reduction <minsi>, %reduce_min3A_1553, %reduce_min3A_1554 [1, 2] : vector<1x32x128xi32> to vector<1xi32>
    %reduce_min3A_1556 = vector.shape_cast %reduce_min3A_1555 : vector<1xi32> to vector<1x1x1xi32>
    %reduce_min3A_1557 = vector.extract %reduce_min3A_1556[0, 0, 0] : i32 from vector<1x1x1xi32>
    %eq3A_1558 = arith.constant 55 : i32
    %eq3A_1559 = vector.broadcast %eq3A_1558 : i32 to vector<1x64xi32>
    %eq3A_1560 = arith.cmpi eq, %iota3A, %eq3A_1559 : vector<1x64xi32>
    %broadcast_in_dim3A_1561 = vector.broadcast %reduce_max3A_1547 : f32 to vector<1x64xf32>
    %select_n3A_1562 = arith.select %eq3A_1560, %broadcast_in_dim3A_1561, %select_n3A_1534 : vector<1x64xi1>, vector<1x64xf32>
    %eq3A_1563 = arith.constant 55 : i32
    %eq3A_1564 = vector.broadcast %eq3A_1563 : i32 to vector<1x64xi32>
    %eq3A_1565 = arith.cmpi eq, %iota3A, %eq3A_1564 : vector<1x64xi32>
    %broadcast_in_dim3A_1566 = vector.broadcast %reduce_min3A_1557 : i32 to vector<1x64xi32>
    %select_n3A_1567 = arith.select %eq3A_1565, %broadcast_in_dim3A_1566, %select_n3A_1539 : vector<1x64xi1>, vector<1x64xi32>
    %jit3A_1568 = arith.constant -3.000000e+38 : f32
    %broadcast_in_dim3A_1569 = vector.broadcast %jit3A_1568 : f32 to vector<32x128xf32>
    %select_n3A_1570 = arith.select %eq3A_1549, %broadcast_in_dim3A_1569, %select_n3A_1542 : vector<32x128xi1>, vector<32x128xf32>
    %reduce_max3A_1571 = vector.shape_cast %select_n3A_1570 : vector<32x128xf32> to vector<1x32x128xf32>
    %reduce_max3A_1572 = arith.constant dense<0xFF800000> : vector<1xf32>
    %reduce_max3A_1573 = vector.multi_reduction <maximumf>, %reduce_max3A_1571, %reduce_max3A_1572 [1, 2] : vector<1x32x128xf32> to vector<1xf32>
    %reduce_max3A_1574 = vector.shape_cast %reduce_max3A_1573 : vector<1xf32> to vector<1x1x1xf32>
    %reduce_max3A_1575 = vector.extract %reduce_max3A_1574[0, 0, 0] : f32 from vector<1x1x1xf32>
    %eq3A_1576 = vector.broadcast %reduce_max3A_1575 : f32 to vector<32x128xf32>
    %eq3A_1577 = arith.cmpf oeq, %select_n3A_1570, %eq3A_1576 : vector<32x128xf32>
    %jit3A_1578 = arith.constant 2147483647 : i32
    %broadcast_in_dim3A_1579 = vector.broadcast %jit3A_1578 : i32 to vector<32x128xi32>
    %select_n3A_1580 = arith.select %eq3A_1577, %get3A_4, %broadcast_in_dim3A_1579 : vector<32x128xi1>, vector<32x128xi32>
    %reduce_min3A_1581 = vector.shape_cast %select_n3A_1580 : vector<32x128xi32> to vector<1x32x128xi32>
    %reduce_min3A_1582 = arith.constant dense<2147483647> : vector<1xi32>
    %reduce_min3A_1583 = vector.multi_reduction <minsi>, %reduce_min3A_1581, %reduce_min3A_1582 [1, 2] : vector<1x32x128xi32> to vector<1xi32>
    %reduce_min3A_1584 = vector.shape_cast %reduce_min3A_1583 : vector<1xi32> to vector<1x1x1xi32>
    %reduce_min3A_1585 = vector.extract %reduce_min3A_1584[0, 0, 0] : i32 from vector<1x1x1xi32>
    %eq3A_1586 = arith.constant 56 : i32
    %eq3A_1587 = vector.broadcast %eq3A_1586 : i32 to vector<1x64xi32>
    %eq3A_1588 = arith.cmpi eq, %iota3A, %eq3A_1587 : vector<1x64xi32>
    %broadcast_in_dim3A_1589 = vector.broadcast %reduce_max3A_1575 : f32 to vector<1x64xf32>
    %select_n3A_1590 = arith.select %eq3A_1588, %broadcast_in_dim3A_1589, %select_n3A_1562 : vector<1x64xi1>, vector<1x64xf32>
    %eq3A_1591 = arith.constant 56 : i32
    %eq3A_1592 = vector.broadcast %eq3A_1591 : i32 to vector<1x64xi32>
    %eq3A_1593 = arith.cmpi eq, %iota3A, %eq3A_1592 : vector<1x64xi32>
    %broadcast_in_dim3A_1594 = vector.broadcast %reduce_min3A_1585 : i32 to vector<1x64xi32>
    %select_n3A_1595 = arith.select %eq3A_1593, %broadcast_in_dim3A_1594, %select_n3A_1567 : vector<1x64xi1>, vector<1x64xi32>
    %jit3A_1596 = arith.constant -3.000000e+38 : f32
    %broadcast_in_dim3A_1597 = vector.broadcast %jit3A_1596 : f32 to vector<32x128xf32>
    %select_n3A_1598 = arith.select %eq3A_1577, %broadcast_in_dim3A_1597, %select_n3A_1570 : vector<32x128xi1>, vector<32x128xf32>
    %reduce_max3A_1599 = vector.shape_cast %select_n3A_1598 : vector<32x128xf32> to vector<1x32x128xf32>
    %reduce_max3A_1600 = arith.constant dense<0xFF800000> : vector<1xf32>
    %reduce_max3A_1601 = vector.multi_reduction <maximumf>, %reduce_max3A_1599, %reduce_max3A_1600 [1, 2] : vector<1x32x128xf32> to vector<1xf32>
    %reduce_max3A_1602 = vector.shape_cast %reduce_max3A_1601 : vector<1xf32> to vector<1x1x1xf32>
    %reduce_max3A_1603 = vector.extract %reduce_max3A_1602[0, 0, 0] : f32 from vector<1x1x1xf32>
    %eq3A_1604 = vector.broadcast %reduce_max3A_1603 : f32 to vector<32x128xf32>
    %eq3A_1605 = arith.cmpf oeq, %select_n3A_1598, %eq3A_1604 : vector<32x128xf32>
    %jit3A_1606 = arith.constant 2147483647 : i32
    %broadcast_in_dim3A_1607 = vector.broadcast %jit3A_1606 : i32 to vector<32x128xi32>
    %select_n3A_1608 = arith.select %eq3A_1605, %get3A_4, %broadcast_in_dim3A_1607 : vector<32x128xi1>, vector<32x128xi32>
    %reduce_min3A_1609 = vector.shape_cast %select_n3A_1608 : vector<32x128xi32> to vector<1x32x128xi32>
    %reduce_min3A_1610 = arith.constant dense<2147483647> : vector<1xi32>
    %reduce_min3A_1611 = vector.multi_reduction <minsi>, %reduce_min3A_1609, %reduce_min3A_1610 [1, 2] : vector<1x32x128xi32> to vector<1xi32>
    %reduce_min3A_1612 = vector.shape_cast %reduce_min3A_1611 : vector<1xi32> to vector<1x1x1xi32>
    %reduce_min3A_1613 = vector.extract %reduce_min3A_1612[0, 0, 0] : i32 from vector<1x1x1xi32>
    %eq3A_1614 = arith.constant 57 : i32
    %eq3A_1615 = vector.broadcast %eq3A_1614 : i32 to vector<1x64xi32>
    %eq3A_1616 = arith.cmpi eq, %iota3A, %eq3A_1615 : vector<1x64xi32>
    %broadcast_in_dim3A_1617 = vector.broadcast %reduce_max3A_1603 : f32 to vector<1x64xf32>
    %select_n3A_1618 = arith.select %eq3A_1616, %broadcast_in_dim3A_1617, %select_n3A_1590 : vector<1x64xi1>, vector<1x64xf32>
    %eq3A_1619 = arith.constant 57 : i32
    %eq3A_1620 = vector.broadcast %eq3A_1619 : i32 to vector<1x64xi32>
    %eq3A_1621 = arith.cmpi eq, %iota3A, %eq3A_1620 : vector<1x64xi32>
    %broadcast_in_dim3A_1622 = vector.broadcast %reduce_min3A_1613 : i32 to vector<1x64xi32>
    %select_n3A_1623 = arith.select %eq3A_1621, %broadcast_in_dim3A_1622, %select_n3A_1595 : vector<1x64xi1>, vector<1x64xi32>
    %jit3A_1624 = arith.constant -3.000000e+38 : f32
    %broadcast_in_dim3A_1625 = vector.broadcast %jit3A_1624 : f32 to vector<32x128xf32>
    %select_n3A_1626 = arith.select %eq3A_1605, %broadcast_in_dim3A_1625, %select_n3A_1598 : vector<32x128xi1>, vector<32x128xf32>
    %reduce_max3A_1627 = vector.shape_cast %select_n3A_1626 : vector<32x128xf32> to vector<1x32x128xf32>
    %reduce_max3A_1628 = arith.constant dense<0xFF800000> : vector<1xf32>
    %reduce_max3A_1629 = vector.multi_reduction <maximumf>, %reduce_max3A_1627, %reduce_max3A_1628 [1, 2] : vector<1x32x128xf32> to vector<1xf32>
    %reduce_max3A_1630 = vector.shape_cast %reduce_max3A_1629 : vector<1xf32> to vector<1x1x1xf32>
    %reduce_max3A_1631 = vector.extract %reduce_max3A_1630[0, 0, 0] : f32 from vector<1x1x1xf32>
    %eq3A_1632 = vector.broadcast %reduce_max3A_1631 : f32 to vector<32x128xf32>
    %eq3A_1633 = arith.cmpf oeq, %select_n3A_1626, %eq3A_1632 : vector<32x128xf32>
    %jit3A_1634 = arith.constant 2147483647 : i32
    %broadcast_in_dim3A_1635 = vector.broadcast %jit3A_1634 : i32 to vector<32x128xi32>
    %select_n3A_1636 = arith.select %eq3A_1633, %get3A_4, %broadcast_in_dim3A_1635 : vector<32x128xi1>, vector<32x128xi32>
    %reduce_min3A_1637 = vector.shape_cast %select_n3A_1636 : vector<32x128xi32> to vector<1x32x128xi32>
    %reduce_min3A_1638 = arith.constant dense<2147483647> : vector<1xi32>
    %reduce_min3A_1639 = vector.multi_reduction <minsi>, %reduce_min3A_1637, %reduce_min3A_1638 [1, 2] : vector<1x32x128xi32> to vector<1xi32>
    %reduce_min3A_1640 = vector.shape_cast %reduce_min3A_1639 : vector<1xi32> to vector<1x1x1xi32>
    %reduce_min3A_1641 = vector.extract %reduce_min3A_1640[0, 0, 0] : i32 from vector<1x1x1xi32>
    %eq3A_1642 = arith.constant 58 : i32
    %eq3A_1643 = vector.broadcast %eq3A_1642 : i32 to vector<1x64xi32>
    %eq3A_1644 = arith.cmpi eq, %iota3A, %eq3A_1643 : vector<1x64xi32>
    %broadcast_in_dim3A_1645 = vector.broadcast %reduce_max3A_1631 : f32 to vector<1x64xf32>
    %select_n3A_1646 = arith.select %eq3A_1644, %broadcast_in_dim3A_1645, %select_n3A_1618 : vector<1x64xi1>, vector<1x64xf32>
    %eq3A_1647 = arith.constant 58 : i32
    %eq3A_1648 = vector.broadcast %eq3A_1647 : i32 to vector<1x64xi32>
    %eq3A_1649 = arith.cmpi eq, %iota3A, %eq3A_1648 : vector<1x64xi32>
    %broadcast_in_dim3A_1650 = vector.broadcast %reduce_min3A_1641 : i32 to vector<1x64xi32>
    %select_n3A_1651 = arith.select %eq3A_1649, %broadcast_in_dim3A_1650, %select_n3A_1623 : vector<1x64xi1>, vector<1x64xi32>
    %jit3A_1652 = arith.constant -3.000000e+38 : f32
    %broadcast_in_dim3A_1653 = vector.broadcast %jit3A_1652 : f32 to vector<32x128xf32>
    %select_n3A_1654 = arith.select %eq3A_1633, %broadcast_in_dim3A_1653, %select_n3A_1626 : vector<32x128xi1>, vector<32x128xf32>
    %reduce_max3A_1655 = vector.shape_cast %select_n3A_1654 : vector<32x128xf32> to vector<1x32x128xf32>
    %reduce_max3A_1656 = arith.constant dense<0xFF800000> : vector<1xf32>
    %reduce_max3A_1657 = vector.multi_reduction <maximumf>, %reduce_max3A_1655, %reduce_max3A_1656 [1, 2] : vector<1x32x128xf32> to vector<1xf32>
    %reduce_max3A_1658 = vector.shape_cast %reduce_max3A_1657 : vector<1xf32> to vector<1x1x1xf32>
    %reduce_max3A_1659 = vector.extract %reduce_max3A_1658[0, 0, 0] : f32 from vector<1x1x1xf32>
    %eq3A_1660 = vector.broadcast %reduce_max3A_1659 : f32 to vector<32x128xf32>
    %eq3A_1661 = arith.cmpf oeq, %select_n3A_1654, %eq3A_1660 : vector<32x128xf32>
    %jit3A_1662 = arith.constant 2147483647 : i32
    %broadcast_in_dim3A_1663 = vector.broadcast %jit3A_1662 : i32 to vector<32x128xi32>
    %select_n3A_1664 = arith.select %eq3A_1661, %get3A_4, %broadcast_in_dim3A_1663 : vector<32x128xi1>, vector<32x128xi32>
    %reduce_min3A_1665 = vector.shape_cast %select_n3A_1664 : vector<32x128xi32> to vector<1x32x128xi32>
    %reduce_min3A_1666 = arith.constant dense<2147483647> : vector<1xi32>
    %reduce_min3A_1667 = vector.multi_reduction <minsi>, %reduce_min3A_1665, %reduce_min3A_1666 [1, 2] : vector<1x32x128xi32> to vector<1xi32>
    %reduce_min3A_1668 = vector.shape_cast %reduce_min3A_1667 : vector<1xi32> to vector<1x1x1xi32>
    %reduce_min3A_1669 = vector.extract %reduce_min3A_1668[0, 0, 0] : i32 from vector<1x1x1xi32>
    %eq3A_1670 = arith.constant 59 : i32
    %eq3A_1671 = vector.broadcast %eq3A_1670 : i32 to vector<1x64xi32>
    %eq3A_1672 = arith.cmpi eq, %iota3A, %eq3A_1671 : vector<1x64xi32>
    %broadcast_in_dim3A_1673 = vector.broadcast %reduce_max3A_1659 : f32 to vector<1x64xf32>
    %select_n3A_1674 = arith.select %eq3A_1672, %broadcast_in_dim3A_1673, %select_n3A_1646 : vector<1x64xi1>, vector<1x64xf32>
    %eq3A_1675 = arith.constant 59 : i32
    %eq3A_1676 = vector.broadcast %eq3A_1675 : i32 to vector<1x64xi32>
    %eq3A_1677 = arith.cmpi eq, %iota3A, %eq3A_1676 : vector<1x64xi32>
    %broadcast_in_dim3A_1678 = vector.broadcast %reduce_min3A_1669 : i32 to vector<1x64xi32>
    %select_n3A_1679 = arith.select %eq3A_1677, %broadcast_in_dim3A_1678, %select_n3A_1651 : vector<1x64xi1>, vector<1x64xi32>
    %jit3A_1680 = arith.constant -3.000000e+38 : f32
    %broadcast_in_dim3A_1681 = vector.broadcast %jit3A_1680 : f32 to vector<32x128xf32>
    %select_n3A_1682 = arith.select %eq3A_1661, %broadcast_in_dim3A_1681, %select_n3A_1654 : vector<32x128xi1>, vector<32x128xf32>
    %reduce_max3A_1683 = vector.shape_cast %select_n3A_1682 : vector<32x128xf32> to vector<1x32x128xf32>
    %reduce_max3A_1684 = arith.constant dense<0xFF800000> : vector<1xf32>
    %reduce_max3A_1685 = vector.multi_reduction <maximumf>, %reduce_max3A_1683, %reduce_max3A_1684 [1, 2] : vector<1x32x128xf32> to vector<1xf32>
    %reduce_max3A_1686 = vector.shape_cast %reduce_max3A_1685 : vector<1xf32> to vector<1x1x1xf32>
    %reduce_max3A_1687 = vector.extract %reduce_max3A_1686[0, 0, 0] : f32 from vector<1x1x1xf32>
    %eq3A_1688 = vector.broadcast %reduce_max3A_1687 : f32 to vector<32x128xf32>
    %eq3A_1689 = arith.cmpf oeq, %select_n3A_1682, %eq3A_1688 : vector<32x128xf32>
    %jit3A_1690 = arith.constant 2147483647 : i32
    %broadcast_in_dim3A_1691 = vector.broadcast %jit3A_1690 : i32 to vector<32x128xi32>
    %select_n3A_1692 = arith.select %eq3A_1689, %get3A_4, %broadcast_in_dim3A_1691 : vector<32x128xi1>, vector<32x128xi32>
    %reduce_min3A_1693 = vector.shape_cast %select_n3A_1692 : vector<32x128xi32> to vector<1x32x128xi32>
    %reduce_min3A_1694 = arith.constant dense<2147483647> : vector<1xi32>
    %reduce_min3A_1695 = vector.multi_reduction <minsi>, %reduce_min3A_1693, %reduce_min3A_1694 [1, 2] : vector<1x32x128xi32> to vector<1xi32>
    %reduce_min3A_1696 = vector.shape_cast %reduce_min3A_1695 : vector<1xi32> to vector<1x1x1xi32>
    %reduce_min3A_1697 = vector.extract %reduce_min3A_1696[0, 0, 0] : i32 from vector<1x1x1xi32>
    %eq3A_1698 = arith.constant 60 : i32
    %eq3A_1699 = vector.broadcast %eq3A_1698 : i32 to vector<1x64xi32>
    %eq3A_1700 = arith.cmpi eq, %iota3A, %eq3A_1699 : vector<1x64xi32>
    %broadcast_in_dim3A_1701 = vector.broadcast %reduce_max3A_1687 : f32 to vector<1x64xf32>
    %select_n3A_1702 = arith.select %eq3A_1700, %broadcast_in_dim3A_1701, %select_n3A_1674 : vector<1x64xi1>, vector<1x64xf32>
    %eq3A_1703 = arith.constant 60 : i32
    %eq3A_1704 = vector.broadcast %eq3A_1703 : i32 to vector<1x64xi32>
    %eq3A_1705 = arith.cmpi eq, %iota3A, %eq3A_1704 : vector<1x64xi32>
    %broadcast_in_dim3A_1706 = vector.broadcast %reduce_min3A_1697 : i32 to vector<1x64xi32>
    %select_n3A_1707 = arith.select %eq3A_1705, %broadcast_in_dim3A_1706, %select_n3A_1679 : vector<1x64xi1>, vector<1x64xi32>
    %jit3A_1708 = arith.constant -3.000000e+38 : f32
    %broadcast_in_dim3A_1709 = vector.broadcast %jit3A_1708 : f32 to vector<32x128xf32>
    %select_n3A_1710 = arith.select %eq3A_1689, %broadcast_in_dim3A_1709, %select_n3A_1682 : vector<32x128xi1>, vector<32x128xf32>
    %reduce_max3A_1711 = vector.shape_cast %select_n3A_1710 : vector<32x128xf32> to vector<1x32x128xf32>
    %reduce_max3A_1712 = arith.constant dense<0xFF800000> : vector<1xf32>
    %reduce_max3A_1713 = vector.multi_reduction <maximumf>, %reduce_max3A_1711, %reduce_max3A_1712 [1, 2] : vector<1x32x128xf32> to vector<1xf32>
    %reduce_max3A_1714 = vector.shape_cast %reduce_max3A_1713 : vector<1xf32> to vector<1x1x1xf32>
    %reduce_max3A_1715 = vector.extract %reduce_max3A_1714[0, 0, 0] : f32 from vector<1x1x1xf32>
    %eq3A_1716 = vector.broadcast %reduce_max3A_1715 : f32 to vector<32x128xf32>
    %eq3A_1717 = arith.cmpf oeq, %select_n3A_1710, %eq3A_1716 : vector<32x128xf32>
    %jit3A_1718 = arith.constant 2147483647 : i32
    %broadcast_in_dim3A_1719 = vector.broadcast %jit3A_1718 : i32 to vector<32x128xi32>
    %select_n3A_1720 = arith.select %eq3A_1717, %get3A_4, %broadcast_in_dim3A_1719 : vector<32x128xi1>, vector<32x128xi32>
    %reduce_min3A_1721 = vector.shape_cast %select_n3A_1720 : vector<32x128xi32> to vector<1x32x128xi32>
    %reduce_min3A_1722 = arith.constant dense<2147483647> : vector<1xi32>
    %reduce_min3A_1723 = vector.multi_reduction <minsi>, %reduce_min3A_1721, %reduce_min3A_1722 [1, 2] : vector<1x32x128xi32> to vector<1xi32>
    %reduce_min3A_1724 = vector.shape_cast %reduce_min3A_1723 : vector<1xi32> to vector<1x1x1xi32>
    %reduce_min3A_1725 = vector.extract %reduce_min3A_1724[0, 0, 0] : i32 from vector<1x1x1xi32>
    %eq3A_1726 = arith.constant 61 : i32
    %eq3A_1727 = vector.broadcast %eq3A_1726 : i32 to vector<1x64xi32>
    %eq3A_1728 = arith.cmpi eq, %iota3A, %eq3A_1727 : vector<1x64xi32>
    %broadcast_in_dim3A_1729 = vector.broadcast %reduce_max3A_1715 : f32 to vector<1x64xf32>
    %select_n3A_1730 = arith.select %eq3A_1728, %broadcast_in_dim3A_1729, %select_n3A_1702 : vector<1x64xi1>, vector<1x64xf32>
    %eq3A_1731 = arith.constant 61 : i32
    %eq3A_1732 = vector.broadcast %eq3A_1731 : i32 to vector<1x64xi32>
    %eq3A_1733 = arith.cmpi eq, %iota3A, %eq3A_1732 : vector<1x64xi32>
    %broadcast_in_dim3A_1734 = vector.broadcast %reduce_min3A_1725 : i32 to vector<1x64xi32>
    %select_n3A_1735 = arith.select %eq3A_1733, %broadcast_in_dim3A_1734, %select_n3A_1707 : vector<1x64xi1>, vector<1x64xi32>
    %jit3A_1736 = arith.constant -3.000000e+38 : f32
    %broadcast_in_dim3A_1737 = vector.broadcast %jit3A_1736 : f32 to vector<32x128xf32>
    %select_n3A_1738 = arith.select %eq3A_1717, %broadcast_in_dim3A_1737, %select_n3A_1710 : vector<32x128xi1>, vector<32x128xf32>
    %reduce_max3A_1739 = vector.shape_cast %select_n3A_1738 : vector<32x128xf32> to vector<1x32x128xf32>
    %reduce_max3A_1740 = arith.constant dense<0xFF800000> : vector<1xf32>
    %reduce_max3A_1741 = vector.multi_reduction <maximumf>, %reduce_max3A_1739, %reduce_max3A_1740 [1, 2] : vector<1x32x128xf32> to vector<1xf32>
    %reduce_max3A_1742 = vector.shape_cast %reduce_max3A_1741 : vector<1xf32> to vector<1x1x1xf32>
    %reduce_max3A_1743 = vector.extract %reduce_max3A_1742[0, 0, 0] : f32 from vector<1x1x1xf32>
    %eq3A_1744 = vector.broadcast %reduce_max3A_1743 : f32 to vector<32x128xf32>
    %eq3A_1745 = arith.cmpf oeq, %select_n3A_1738, %eq3A_1744 : vector<32x128xf32>
    %jit3A_1746 = arith.constant 2147483647 : i32
    %broadcast_in_dim3A_1747 = vector.broadcast %jit3A_1746 : i32 to vector<32x128xi32>
    %select_n3A_1748 = arith.select %eq3A_1745, %get3A_4, %broadcast_in_dim3A_1747 : vector<32x128xi1>, vector<32x128xi32>
    %reduce_min3A_1749 = vector.shape_cast %select_n3A_1748 : vector<32x128xi32> to vector<1x32x128xi32>
    %reduce_min3A_1750 = arith.constant dense<2147483647> : vector<1xi32>
    %reduce_min3A_1751 = vector.multi_reduction <minsi>, %reduce_min3A_1749, %reduce_min3A_1750 [1, 2] : vector<1x32x128xi32> to vector<1xi32>
    %reduce_min3A_1752 = vector.shape_cast %reduce_min3A_1751 : vector<1xi32> to vector<1x1x1xi32>
    %reduce_min3A_1753 = vector.extract %reduce_min3A_1752[0, 0, 0] : i32 from vector<1x1x1xi32>
    %eq3A_1754 = arith.constant 62 : i32
    %eq3A_1755 = vector.broadcast %eq3A_1754 : i32 to vector<1x64xi32>
    %eq3A_1756 = arith.cmpi eq, %iota3A, %eq3A_1755 : vector<1x64xi32>
    %broadcast_in_dim3A_1757 = vector.broadcast %reduce_max3A_1743 : f32 to vector<1x64xf32>
    %select_n3A_1758 = arith.select %eq3A_1756, %broadcast_in_dim3A_1757, %select_n3A_1730 : vector<1x64xi1>, vector<1x64xf32>
    %eq3A_1759 = arith.constant 62 : i32
    %eq3A_1760 = vector.broadcast %eq3A_1759 : i32 to vector<1x64xi32>
    %eq3A_1761 = arith.cmpi eq, %iota3A, %eq3A_1760 : vector<1x64xi32>
    %broadcast_in_dim3A_1762 = vector.broadcast %reduce_min3A_1753 : i32 to vector<1x64xi32>
    %select_n3A_1763 = arith.select %eq3A_1761, %broadcast_in_dim3A_1762, %select_n3A_1735 : vector<1x64xi1>, vector<1x64xi32>
    %jit3A_1764 = arith.constant -3.000000e+38 : f32
    %broadcast_in_dim3A_1765 = vector.broadcast %jit3A_1764 : f32 to vector<32x128xf32>
    %select_n3A_1766 = arith.select %eq3A_1745, %broadcast_in_dim3A_1765, %select_n3A_1738 : vector<32x128xi1>, vector<32x128xf32>
    %reduce_max3A_1767 = vector.shape_cast %select_n3A_1766 : vector<32x128xf32> to vector<1x32x128xf32>
    %reduce_max3A_1768 = arith.constant dense<0xFF800000> : vector<1xf32>
    %reduce_max3A_1769 = vector.multi_reduction <maximumf>, %reduce_max3A_1767, %reduce_max3A_1768 [1, 2] : vector<1x32x128xf32> to vector<1xf32>
    %reduce_max3A_1770 = vector.shape_cast %reduce_max3A_1769 : vector<1xf32> to vector<1x1x1xf32>
    %reduce_max3A_1771 = vector.extract %reduce_max3A_1770[0, 0, 0] : f32 from vector<1x1x1xf32>
    %eq3A_1772 = vector.broadcast %reduce_max3A_1771 : f32 to vector<32x128xf32>
    %eq3A_1773 = arith.cmpf oeq, %select_n3A_1766, %eq3A_1772 : vector<32x128xf32>
    %jit3A_1774 = arith.constant 2147483647 : i32
    %broadcast_in_dim3A_1775 = vector.broadcast %jit3A_1774 : i32 to vector<32x128xi32>
    %select_n3A_1776 = arith.select %eq3A_1773, %get3A_4, %broadcast_in_dim3A_1775 : vector<32x128xi1>, vector<32x128xi32>
    %reduce_min3A_1777 = vector.shape_cast %select_n3A_1776 : vector<32x128xi32> to vector<1x32x128xi32>
    %reduce_min3A_1778 = arith.constant dense<2147483647> : vector<1xi32>
    %reduce_min3A_1779 = vector.multi_reduction <minsi>, %reduce_min3A_1777, %reduce_min3A_1778 [1, 2] : vector<1x32x128xi32> to vector<1xi32>
    %reduce_min3A_1780 = vector.shape_cast %reduce_min3A_1779 : vector<1xi32> to vector<1x1x1xi32>
    %reduce_min3A_1781 = vector.extract %reduce_min3A_1780[0, 0, 0] : i32 from vector<1x1x1xi32>
    %eq3A_1782 = arith.constant 63 : i32
    %eq3A_1783 = vector.broadcast %eq3A_1782 : i32 to vector<1x64xi32>
    %eq3A_1784 = arith.cmpi eq, %iota3A, %eq3A_1783 : vector<1x64xi32>
    %broadcast_in_dim3A_1785 = vector.broadcast %reduce_max3A_1771 : f32 to vector<1x64xf32>
    %select_n3A_1786 = arith.select %eq3A_1784, %broadcast_in_dim3A_1785, %select_n3A_1758 : vector<1x64xi1>, vector<1x64xf32>
    %eq3A_1787 = arith.constant 63 : i32
    %eq3A_1788 = vector.broadcast %eq3A_1787 : i32 to vector<1x64xi32>
    %eq3A_1789 = arith.cmpi eq, %iota3A, %eq3A_1788 : vector<1x64xi32>
    %broadcast_in_dim3A_1790 = vector.broadcast %reduce_min3A_1781 : i32 to vector<1x64xi32>
    %select_n3A_1791 = arith.select %eq3A_1789, %broadcast_in_dim3A_1790, %select_n3A_1763 : vector<1x64xi1>, vector<1x64xi32>
    %swap3A = arith.constant 0 : index
    %swap3A_1792 = arith.constant 0 : index
    %swap3A_1793 = vector.load %arg2[%swap3A, %swap3A_1792] : memref<1x64xf32, #tpu.memory_space<vmem>>, vector<1x64xf32>
    tpu.vector_store %arg2[%swap3A, %swap3A_1792], %select_n3A_1786 {strides = array<i32>} : memref<1x64xf32, #tpu.memory_space<vmem>>, vector<1x64xf32>,
    %swap3A_1794 = arith.constant 0 : index
    %swap3A_1795 = arith.constant 0 : index
    %swap3A_1796 = vector.load %arg3[%swap3A_1794, %swap3A_1795] : memref<1x64xi32, #tpu.memory_space<vmem>>, vector<1x64xi32>
    tpu.vector_store %arg3[%swap3A_1794, %swap3A_1795], %select_n3A_1791 {strides = array<i32>} : memref<1x64xi32, #tpu.memory_space<vmem>>, vector<1x64xi32>,
    return
  }
}

</mosaic_0001>

<sc_bundles>
// kernel: kernel.5.cloned.1.call-start
scs
__scs_entry_jumppad:
0x0: {  	(pc) =	sbr.rel $0x88, $3  }
0x1: {  	(tag) =	ssettag $0x0;
	lr =	simm.s32 $0x1  }
0x2: {  	[smem:$0x3F9F] =	sst lr;
	_ =	strace $0xD0000000  }
0x3: {  	_ = 	snop  }
0x4: {  	_ = 	snop  }
0x5: {  	_ = 	snop  }
0x6: {  	_ = 	snop  }
0x7: {  	_ = 	snop  }
__scs_overlays_trampoline_lowered:
0x8: {  	[smem:$0x3FAE] =	sst s0  }
0x9: {  	[smem:$0x3FAF] =	sst s1  }
0xa: {  	[smem:$0x3FB0] =	sst s2  }
0xb: {  	[smem:$0x3FB1] =	sst s3  }
0xc: {  	[smem:$0x3FB2] =	sst s4  }
0xd: {  	[smem:$0x3FB3] =	sst s5  }
0xe: {  	[smem:$0x3FB4] =	sst s6  }
0xf: {  	[smem:$0x3FB5] =	sst s7  }
0x10: {  	[smem:$0x3FB6] =	sst s8  }
0x11: {  	[smem:$0x3FB7] =	sst s9;
	s0 =	simm.s32 @!p0 $0x0  }
0x12: {  	s1 =	sld [smem:$0x3F9D];
	s0 =	simm.s32 @p0 $0x1  }
0x13: {  	[smem:$0x3FB8] =	sst s0;
	s0 =	simm.s32 @!p1 $0x0  }
0x14: {  	s2 =	sld [smem:$0x3F9C];
	s0 =	simm.s32 @p1 $0x1  }
0x15: {  	[smem:$0x3FB9] =	sst s0;
	s0 =	simm.s32 @!p2 $0x0  }
0x16: {  	s3 =	sld [smem:$0x3FDB];
	s0 =	simm.s32 @p2 $0x1  }
0x17: {  	s4 =	simm.s32 $0x1BF5;
	[smem:$0x3FBB] =	sst s0  }
0x18: {  	s0 =	sld [smem:$0x3F9E];
	_ =	swait.ge [sflag:s4], $0x0  }
0x19: {  	s7 =	sld [smem:$0x3F9F]  }
0x1a: {  	s8 =	sadd.s32 $0xFFFFE003, lr  }
0x1b: {  	s9 =	sadd.s32 $0xFFFFFEF7, lr;
	s5 =	simm.s32 $0xFFFFFFFF;
	p2 =	slt.u32 s8, $0xFFFFF086  }
0x1c: {  	p1 =	slt.u32 s9, $0xF7A;
	s5 =	simm.s32 @!p2 $0x0  }
0x1d: {  	s5 =	simm.s32 @p1 $0x1;
	p0 =	seq.s32 s7, s2  }
0x1e: {  	s7 =	smul.u32 @!p0 $0xF7A, s2;
	p2 =	seq.s32 @!p0 s5, $0x0  }
0x1f: {  	s9 =	smul.u32 $0xF7A, s1;
	s8 =	simm.s32 @!p0 $0x1BF5;
	p2 =	por !p2, p0  }
0x20: {  	[sflag:s8] =	ssyncset.s32 @!p0 $0xFFFFF086;
	s6 =	sadd.s32 @!p0 s3, s7;
	s7 =	simm.s32 @!p0 $0x108  }
0x21: {  	s3 =	sadd.s32 s3, s9;
	s6 =	sadd.s32 @!p0 $0x88, s6;
	s7 =	simm.s32 @p2 $0x1082  }
0x22: {  	[simem:s7], [sflag:s8] =	dma.local @!p0 [hbm:s6], $0xF7A  }
0x23: {  	s9 =	sor.u32 $0xD0000000, s2;
	s6 =	simm.s32 $0x108;
	_ =	swait.ge @!p0 [sflag:s8], $0x0  }
0x24: {  	s3 =	sadd.s32 $0x88, s3;
	s6 =	simm.s32 @!p1 $0x1082;
	[sflag:s4] =	ssyncset.s32 $0xFFFFF086  }
0x25: {  	[simem:s6], [sflag:s4] =	dma.local [hbm:s3], $0xF7A  }
0x26: {  	[smem:$0x3F9F] =	sst s1;
	(tag) =	ssettag s2;
	_ =	strace s9  }
0x27: {  	s1 =	sld [smem:$0x3FAF]  }
0x28: {  	s2 =	sld [smem:$0x3FB0]  }
0x29: {  	s4 =	sld [smem:$0x3FB2]  }
0x2a: {  	p0 =	seq.s32 s5, $0x0;
	s5 =	sld [smem:$0x3FB3]  }
0x2b: {  	s6 =	sld [smem:$0x3FB4]  }
0x2c: {  	s7 =	sld [smem:$0x3FB5]  }
0x2d: {  	s3 =	simm.s32 $0x108;
	s8 =	sld [smem:$0x3FB6]  }
0x2e: {  	s3 =	simm.s32 @!p0 $0x1082;
	s9 =	sld [smem:$0x3FB7]  }
0x2f: {  	lr =	sadd.s32 s0, s3;
	s0 =	sld [smem:$0x3FAE]  }
0x30: {  	s3 =	sld [smem:$0x3FB1]  }
0x31: {  	[smem:$0x3FBA] =	sst s10  }
0x32: {  	s10 =	sld [smem:$0x3FB8];
	_ =	sdelay $0x3  }
0x33: {  	p0 =	seq.s32 s10, $0x1;
	s10 =	sld [smem:$0x3FBA];
	_ =	sdelay $0x3  }
0x34: {  	[smem:$0x3FBA] =	sst s10  }
0x35: {  	s10 =	sld [smem:$0x3FB9];
	_ =	sdelay $0x3  }
0x36: {  	p1 =	seq.s32 s10, $0x1;
	s10 =	sld [smem:$0x3FBA];
	_ =	sdelay $0x3  }
0x37: {  	[smem:$0x3FBA] =	sst s10  }
0x38: {  	s10 =	sld [smem:$0x3FBB]  }
0x39: {  	_ = 	snop;
	(pc) =	sbr.ind lr, $3  }
0x3a: {  	_ = 	snop  }
0x3b: {  	_ = 	snop  }
0x3c: {  	p2 =	seq.s32 s10, $0x1;
	s10 =	sld [smem:$0x3FBA]  }
0x3d: {  	_ =	shalt  }
0x3e: {  	_ =	shalt  }
0x3f: {  	_ =	shalt  }
0x40: {  	_ =	shalt  }
0x41: {  	_ =	shalt  }
0x42: {  	_ =	shalt  }
0x43: {  	_ =	shalt  }
0x44: {  	_ =	shalt  }
0x45: {  	_ =	shalt  }
0x46: {  	_ =	shalt  }
0x47: {  	_ =	shalt  }
0x48: {  	_ =	shalt  }
0x49: {  	_ =	shalt  }
0x4a: {  	_ =	shalt  }
0x4b: {  	_ =	shalt  }
0x4c: {  	_ =	shalt  }
0x4d: {  	_ =	shalt  }
0x4e: {  	_ =	shalt  }
0x4f: {  	_ =	shalt  }
0x50: {  	_ =	shalt  }
0x51: {  	_ =	shalt  }
0x52: {  	_ =	shalt  }
0x53: {  	_ =	shalt  }
0x54: {  	_ =	shalt  }
0x55: {  	_ =	shalt  }
0x56: {  	_ =	shalt  }
0x57: {  	_ =	shalt  }
0x58: {  	_ =	shalt  }
0x59: {  	_ =	shalt  }
0x5a: {  	_ =	shalt  }
0x5b: {  	_ =	shalt  }
0x5c: {  	_ =	shalt  }
0x5d: {  	_ =	shalt  }
0x5e: {  	_ =	shalt  }
0x5f: {  	_ =	shalt  }
0x60: {  	_ =	shalt  }
0x61: {  	_ =	shalt  }
0x62: {  	_ =	shalt  }
0x63: {  	_ =	shalt  }
0x64: {  	_ =	shalt  }
0x65: {  	_ =	shalt  }
0x66: {  	_ =	shalt  }
0x67: {  	_ =	shalt  }
0x68: {  	_ =	shalt  }
0x69: {  	_ =	shalt  }
0x6a: {  	_ =	shalt  }
0x6b: {  	_ =	shalt  }
0x6c: {  	_ =	shalt  }
0x6d: {  	_ =	shalt  }
0x6e: {  	_ =	shalt  }
0x6f: {  	_ =	shalt  }
0x70: {  	_ =	shalt  }
0x71: {  	_ =	shalt  }
0x72: {  	_ =	shalt  }
0x73: {  	_ =	shalt  }
0x74: {  	_ =	shalt  }
0x75: {  	_ =	shalt  }
0x76: {  	_ =	shalt  }
0x77: {  	_ =	shalt  }
0x78: {  	_ =	shalt  }
0x79: {  	_ =	shalt  }
0x7a: {  	_ =	shalt  }
0x7b: {  	_ =	shalt  }
0x7c: {  	_ =	shalt  }
0x7d: {  	_ =	shalt  }
0x7e: {  	_ =	shalt  }
0x7f: {  	_ =	shalt  }
0x80: {  	_ =	shalt  }
0x81: {  	_ =	shalt  }
0x82: {  	_ =	shalt  }
0x83: {  	_ =	shalt  }
0x84: {  	_ =	shalt  }
0x85: {  	_ =	shalt  }
0x86: {  	_ =	shalt  }
0x87: {  	_ =	shalt  }
.Lfunc_end0:
.L_simem_size_0:
called_computation_lowered:
.L_overlay_start_0:
0x88: {  	s2 =	sld [smem:$0x3FD9]  }
0x89: {  	s3 =	sld [smem:$0x3FFE];
	_ =	sdelay $0x1  }
0x8a: {  	s1 =	srdreg.scid  }
0x8b: {  	s0 =	sand.u32 $0x1, s1  }
0x8c: {  	s16 =	sshll.u32 s0, $0xA;
	s2 =	sadd.s32 s3, s2  }
0x8d: {  	s2 =	sadd.s32 s2, s16  }
0x8e: {  	[smem:$0x3FC6] =	sst s2  }
0x8f: {  	_ = 	snop  }
0x90: {  	(tm) =	ssettm $0x1  }
0x91: {  	s17 =	sld [smem:$0x3FFB];
	_ =	sdelay $0x3  }
0x92: {  	_ =	strace s17  }
0x93: {  	s2 =	sld [smem:$0x3FFC];
	_ =	sdelay $0x3  }
0x94: {  	_ =	strace s2  }
0x95: {  	s2 =	sld [smem:$0x3FFD];
	_ =	sdelay $0x3  }
0x96: {  	_ =	strace s2  }
0x97: {  	_ =	strace $0x8FFFFFFF  }
0x98: {  	s18 =	sld [smem:$0x3FDB];
	_ =	sdelay $0x1  }
0x99: {  	s19 =	simm.s32 $_scs_section_size  }
0x9a: {  	s4 =	simm.s32 $_size__tile_overlayer_lowered;
	s5 =	simm.s32 $_tile_overlayer_lowered  }
0x9b: {  	s22 =	simm.s32 $0x1BFF;
	s21 =	sshll.u32 s5, $0x1;
	s2 =	sadd.s32 s19, s18  }
0x9c: {  	s6 =	simm.s32 $0x0;
	s20 =	sshll.u32 s4, $0x1;
	s4 =	sadd.s32 s21, s2  }
0x9d: {  	[timem:s6], [sflag:s22] =	dma.local [hbm:s4], s20  }
0x9e: {  	_ =	swait.ge [sflag:s22], s20  }
0x9f: {  	s3 =	ssub.s32 $0x0, s20;
	[sflag:s22] =	ssyncset.done $0x0  }
0xa0: {  	[sflag:s22] =	ssyncadd.s32 s3;
	_ =	sdelay $0x1  }
0xa1: {  	s23 =	simm.s32 $0x1B8B  }
0xa2: {  	_ =	swait.ge [sflag:s23], $0x1  }
0xa3: {  	[sflag:s23] =	ssyncset.done $0x0  }
0xa4: {  	s25 =	simm.s32 $0x1B8E;
	s24 =	sld [smem:$0x3FFE];
	[sflag:s23] =	ssyncadd.s32 $0xFFFFFFFF  }
0xa5: {  	s26 =	simm.s32 $execute0_lowered;
	[smem:$0x3FD2] =	sst s25  }
0xa6: {  	s4 =	sshll.u32 s26, $0x1;
	_ =	strace $0x80000046;
	[dreg:$0x1] =	wrdreg $0xFFFFFFFF  }
0xa7: {  	s28 =	simm.s32 $_size_execute0_lowered;
	s2 =	sadd.s32 s2, s4;
	[dreg:$0x0] =	wrdreg $0x0  }
0xa8: {  	s4 =	sshll.u32 s28, $0x1;
	[dreg:$0x2] =	wrdreg s2  }
0xa9: {  	[dreg:$0x3] =	wrdreg s4  }
0xaa: {  	[dreg:$0x4] =	wrdreg $0xC0  }
0xab: {  	_ =	task [dreg:s6], $0x5FFFF  }
0xac: {  	[dreg:$0x1] =	wrdreg $0xFFFFFFFF  }
0xad: {  	[dreg:$0x0] =	wrdreg $0x60  }
0xae: {  	[dreg:$0x2] =	wrdreg s24  }
0xaf: {  	[dreg:$0x3] =	wrdreg $0x9  }
0xb0: {  	_ =	task.clear_ibuf [dreg:s6], $0x4FFFF;
	_ =	strace $0x90000046  }
0xb1: {  	s29 =	simm.s32 $0x9;
	_ =	strace $0x80000048  }
0xb2: {  	_ =	swait.ge [sflag:s29], $0x1  }
0xb3: {  	[sflag:s29] =	ssyncadd.s32 $0xFFFFFFFF  }
0xb4: {  	_ =	strace $0x90000048  }
0xb5: {  	_ =	sfence  }
0xb6: {  	s30 =	sld [smem:$0x0];
	_ =	sdelay $0x2  }
0xb7: {  	s31 =	sshll.u32 s1, $0xD;
	s1 =	sshrl.u32 s1, $0x2  }
0xb8: {  	s3 =	sand.u32 $0x4000, s31;
	s1 =	sadd.s32 s1, s30  }
0xb9: {  	s0 =	sor.u32 s3, s0;
	s1 =	sshll.u32 s1, $0x11  }
0xba: {  	s0 =	sor.u32 s1, s0  }
0xbb: {  	s0 =	sadd.s32 $0x8F2B, s0  }
0xbc: {  	[sflag:s0] =	ssyncadd.remote.s32 $0x1  }
0xbd: {  	_ =	sfence.sel $0xFFFF  }
0xbe: {  	[dreg:$0x0] =	wrdreg $0xFFFFFFFF;
	(pc) =	sbr.abs _section_cstart, $3  }
0xbf: {  	[dreg:$0x1] =	wrdreg $0xFFFFFFFF  }
0xc0: {  	_ =	task.clear_ibuf [dreg:s6], $0x2FFFF;
	_ =	strace $0x9FFFFFFF  }
0xc1: {  	(tm) =	ssettm $0x7FFFFFFF  }
tec
execute0_lowered:
.L_overlay_start_1:
0x0: {  	(tag) =	ssettag $0x1  }
0x1: {  	s1 =	srdreg.scid;
	s0 =	stileid.u32  }
0x2: {  	s5 =	rddreg [dreg:$0x0];
	s2 =	simm.s32 $0x0;
	s10 =	simm.s32 $0xD00  }
0x3: {  	s11 =	simm.s32 $0x0;
	s3 =	sand.u32 $0x1, s1;
	s30 =	sshll.u32 s0, $0x1  }
0x4: {  	s1 =	rddreg [dreg:$0x1];
	s9 =	smul.u32 $0x1900, s0;
	s4 =	sor.u32 s3, s30  }
0x5: {  	[smem:$0x7FF] =	sst s2;
	s7 =	ssub.s32 $0x2, s3;
	s6 =	smul.u32 $0xC80, s4  }
0x6: {  	_ =	strace $0x80000047;
	s31 =	smul.u32 $0xC80, s3;
	s8 =	sshrl.u32 s7, $0x1  }
0x7: {  	s4 =	sshll.u32 s4, $0x4;
	s7 =	ssub.s32 s7, s8;
	s6 =	sshrl.u32 s6, $0x3  }
0x8: {  	s8 =	simm.s32 $0x1;
	s6 =	sadd.s32 s6, s5;
	s5 =	sadd.s32 s4, s5  }
0x9: {  	s3 =	sadd.s32 $0x1200, s6;
	s4 =	sadd.s32 $0x4400, s5;
	s5 =	sadd.s32 $0x4600, s5  }
0xa: {  	v0 =	vlaneseq.u32;
	s6 =	smax.u32 s7, $0x1;
	s7 =	sadd.s32 s31, s9;
	s9 =	simm.s32 $0xC80  }
.LBB2_1:
0xb: {  	[tilespmem:s2], [sflag:$0x1] =	stream.linear.gather [hbm4b:s3+s2], $0xC80, $0x38;
	[tilespmem:$0xD80] =	vst v63  }
0xc: {  	_ =	swait.ge [sflag:s8], $0xC80  }
0xd: {  	[sflag:s8] =	ssyncset.done $0x0  }
0xe: {  	s12 =	simm.s32 $0x0;
	[sflag:s8] =	ssyncadd.s32 $0xFFFFF380  }
0xf: {  	v7 =	vimm.f32 $-3.000000010e+38;
	v4 =	vld [tilespmem:s12+$0x0]  }
0x10: {  	v11 =	vimm.s32 $0x0;
	v1 =	vor.u32 s7, v0;
	v20 =	vimm.f32 $-3.000000010e+38  }
0x11: {  	v3 =	vimm.f32 $-3.000000010e+38;
	v6 =	vimm.f32 $-3.000000010e+38;
	v10 =	vimm.s32 $0x0  }
0x12: {  	v21 =	vimm.f32 $-3.000000010e+38;
	v5 =	vimm.s32 $0x0;
	v17 =	vimm.s32 $0x0  }
0x13: {  	v19 =	vimm.s32 $0x0;
	v16 =	vimm.s32 $0x0;
	v22 =	vimm.f32 $-3.000000010e+38  }
0x14: {  	v13 =	vimm.s32 $0x0;
	vm4 =	vgt.f32 v4, v7;
	vm0 =	vgt.f32 v4, v7  }
0x15: {  	v8 =	vsel vm4, v1, v11;
	v14 =	vsel vm4, v4, v7;
	v18 =	vsel vm4, v4, v7  }
0x16: {  	v23 =	vsel vm4, v4, v7;
	v24 =	vsel vm4, v1, v11;
	v25 =	vsel vm0, v1, v11  }
0x17: {  	v2 =	vsel vm0, v4, v7;
	v26 =	vsel vm0, v4, v7;
	vm7 =	vmmov vm4  }
0x18: {  	vm2 =	vmmov vm0;
	vm1 =	vmmov vm0;
	vm3 =	vmmov vm0  }
0x19: {  	vm5 =	vmmov vm4;
	vm6 =	vmmov vm0;
	v9 =	vsel vm4, v11, v24  }
0x1a: {  	s13 =	simm.s32 $0x40;
	s12 =	smov.u32 s7;
	v15 =	vsel vm4, v11, v25;
	v12 =	vsel vm0, v7, v2;
	v2 =	vimm.f32 $-3.000000010e+38  }
.LBB2_2:
0x1b: {  	s15 =	smov.u32 s13  }
0x1c: {  	s14 =	sshra.s32 s13, $0x2;
	v27 =	vsel vm4, v7, v26;
	v26 =	vsel vm0, v1, v11;
	v25 =	vsel vm0, v11, v25;
	s12 =	sadd.s32 $0x10, s12;
	v28 =	vmovc v9;
	s15 =	sadd.s32 $0x40, s13  }
0x1d: {  	p0 =	sne.s32 s13, $0x31C0;
	v7 =	vsel vm7, v20, v23;
	v11 =	vsel vm2, v4, v3;
	v6 =	vsel vm1, v4, v6;
	v29 =	vld [tilespmem:s14+$0x0]  }
0x1e: {  	v4 =	vsel vm3, v4, v2;
	v10 =	vsel vm3, v1, v10;
	v6 =	vsel vm3, v2, v6  }
0x1f: {  	v2 =	vsel vm2, v3, v4;
	v3 =	vsel vm0, v21, v11;
	v10 =	vsel vm2, v5, v10;
	v5 =	vmovc v25  }
0x20: {  	v24 =	vsel vm5, v17, v24;
	v17 =	vmovc v8;
	v11 =	vsel vm6, v19, v26;
	v19 =	vsel vm1, v1, v16  }
0x21: {  	v20 =	vsel vm5, v22, v18;
	v22 =	vmovc v14;
	v1 =	vor.u32 s12, v0;
	v16 =	vsel vm3, v13, v19;
	v13 =	vmovc v10  }
0x22: {  	vm5 =	vgt.f32 v29, v14;
	vm7 =	vgt.f32 v29, v20;
	vm4 =	vgt.f32 v29, v7;
	v4 =	vmovc v29  }
0x23: {  	v19 =	vmovc v15;
	vm0 =	vgt.f32 v4, v12;
	vm2 =	vgt.f32 v4, v3;
	v8 =	vsel vm5, v1, v8  }
.Ltmp0:
0x24: {  	v21 =	vmovc v12;
	vm1 =	vgt.f32 v4, v6;
	v14 =	vsel vm5, v4, v14;
	v18 =	vsel vm7, v4, v20;
	(pc) =	sbr.rel @p0 .LBB2_2-.Ltmp0, $4  }
0x25: {  	vm6 =	vgt.f32 v4, v27;
	v23 =	vsel vm4, v4, v7;
	v9 =	vsel vm4, v1, v9  }
0x26: {  	vm3 =	vgt.f32 v4, v2;
	v9 =	vsel vm7, v24, v9;
	v26 =	vsel vm6, v4, v27  }
0x27: {  	v15 =	vsel vm6, v1, v15;
	v12 =	vsel vm0, v4, v12;
	v25 =	vsel vm2, v1, v25  }
0x28: {  	s13 =	smov.u32 s15;
	v24 =	vsel vm7, v1, v24;
	v15 =	vsel vm4, v28, v15;
	v12 =	vsel vm6, v27, v12  }
0x29: {  	[tilespmem:$0xC80] =	vst v14  }
0x2a: {  	[tilespmem:$0xD00] =	vst v8  }
0x2b: {  	[tilespmem:$0xD20] =	vst v9  }
0x2c: {  	[tilespmem:$0xD30] =	vst v15  }
0x2d: {  	v55 =	vsel vm5, v22, v18;
	[tilespmem:$0xCC0] =	vst v12  }
0x2e: {  	v56 =	vsel vm5, v17, v24;
	[tilespmem:$0xC90] =	vst v55  }
0x2f: {  	v57 =	vsel vm7, v20, v23;
	[tilespmem:$0xD10] =	vst v56  }
0x30: {  	v7 =	vsel vm4, v7, v26;
	[tilespmem:$0xCA0] =	vst v57  }
0x31: {  	v58 =	vsel vm0, v1, v11;
	v60 =	vsel vm0, v11, v25;
	[tilespmem:$0xCB0] =	vst v7  }
0x32: {  	v59 =	vsel vm2, v4, v3;
	v7 =	vsel vm6, v19, v58;
	[tilespmem:$0xD50] =	vst v60  }
0x33: {  	v61 =	vsel vm3, v4, v2;
	v8 =	vsel vm0, v21, v59;
	[tilespmem:$0xD40] =	vst v7  }
0x34: {  	v62 =	vsel vm3, v1, v10;
	v3 =	vsel vm2, v3, v61;
	[tilespmem:$0xCD0] =	vst v8  }
0x35: {  	v63 =	vsel vm1, v4, v6;
	v5 =	vsel vm2, v5, v62;
	[tilespmem:$0xCE0] =	vst v3  }
0x36: {  	v1 =	vsel vm1, v1, v16;
	v2 =	vsel vm3, v2, v63;
	[tilespmem:$0xD60] =	vst v5  }
0x37: {  	v1 =	vsel vm3, v13, v1;
	[tilespmem:$0xCF0] =	vst v2  }
0x38: {  	[tilespmem:$0xD70] =	vst v1  }
0x39: {  	[hbm4b:s4+s2] =	stream.linear.scatter [tilespmem:s9], [sflag:$0x1], $0x80, $0x38;
	[tilespmem:$0xD80] =	vst v63  }
0x3a: {  	s11 =	sadd.s32 $0x1, s11;
	_ =	swait.ge [sflag:s8], $0x80  }
0x3b: {  	p0 =	sne.s32 s11, s6;
	[sflag:s8] =	ssyncset.done $0x0  }
.Ltmp1:
0x3c: {  	[sflag:s8] =	ssyncadd.s32 $0xFFFFFF80;
	(pc) =	sbr.rel @p0 .LBB2_1-.Ltmp1, $4  }
0x3d: {  	[hbm4b:s5+s2] =	stream.linear.scatter [tilespmem:s10], [sflag:$0x1], $0x80, $0x38;
	[tilespmem:$0xD80] =	vst v63  }
0x3e: {  	_ =	swait.ge [sflag:s8], $0x80  }
0x3f: {  	[sflag:s8] =	ssyncset.done $0x0  }
0x40: {  	[sflag:s8] =	ssyncadd.s32 $0xFFFFFF80  }
0x41: {  	_ =	sfence.sel $0x180000  }
0x42: {  	[bflag:$0x0] =	sbarrier.arrive $0xFFFF  }
0x43: {  	p0 =	sne.s32 s0, $0x0;
	_ =	strace $0x90000047  }
0x44: {  	s0 =	sadd.s32 @!p0 $0x100000, s1;
	[bflag:$0x2] =	sbarrier.arrive $0xFFFF  }
0x45: {  	[sflag:s0] =	ssyncadd.tile.s32 @!p0 $0x1;
	_ =	shalt  }
.Lfunc_end2:
_tile_overlayer_lowered:
.L_overlay_start_2:
0x46: {  	(tag) =	ssettag $0x2  }
0x47: {  	s0 =	rddreg [dreg:$0x0];
	s2 =	stileid.u32  }
0x48: {  	s1 =	rddreg [dreg:$0x1];
	p0 =	sne.s32 s2, $0x0  }
0x49: {  	s3 =	rddreg [dreg:$0x2];
	[bflag:$0x3] =	sbarrier.arrive $0xFFFF;
	s2 =	simm.s32 @!p0 $0x1C01  }
0x4a: {  	[timem:s3], [sflag:s2] =	dma.local @!p0 [hbm:s0], s1  }
0x4b: {  	s0 =	simm.s32 @!p0 $0x1  }
0x4c: {  	_ =	swait.ge @!p0 [sflag:s0], s1  }
0x4d: {  	s1 =	ssub.s32 @!p0 $0x0, s1;
	[sflag:s0] =	ssyncset.done @!p0 $0x0  }
0x4e: {  	[sflag:s0] =	ssyncadd.s32 @!p0 s1  }
0x4f: {  	[bflag:$0x3] =	sbarrier.arrive $0xFFFF  }
0x50: {  	_ =	shalt  }

</sc_bundles>
